<compile_context>
chip_gen: v7x
topology: tpu7x:2x2x1
jax: 0.10.2.dev20260603
libtpu: 0.0.44.dev20260713+nightly
codegen_flags: <defaults>
</compile_context>

<pallas_src>
import functools

import jax
import jax.numpy as jnp
from jax import lax
from jax.experimental import pallas as pl
from jax.experimental.pallas import tpu as pltpu
from jax.experimental.pallas import tpu_sc as plsc

_B, _S, _D = 16, 4096, 512
_NT = 32
_NO = 32
_NTH = 16
_DD = 128
_ROW = 2 * _D + _DD
_BINS = (1, 2, 3, 4, 5, 8, 16, 32, 64)

_mesh = plsc.VectorSubcoreMesh(core_axis_name="c", subcore_axis_name="s")


@functools.partial(
    pl.kernel,
    mesh=_mesh,
    compiler_params=pltpu.CompilerParams(needs_layout_passes=False),
    out_type=(
        jax.ShapeDtypeStruct((_B * _NT, _D), jnp.float32),
        jax.ShapeDtypeStruct((_B * _NO, _D), jnp.float32),
        jax.ShapeDtypeStruct((_B * _NT * _NO,), jnp.int32),
    ),
    scratch_types=[
        pltpu.VMEM((2 * _S,), jnp.int32),
        pltpu.VMEM((_NTH,), jnp.int32),
        pltpu.VMEM((_NO,), jnp.int32),
        pltpu.VMEM((_NTH,), jnp.int32),
        pltpu.VMEM((_NO,), jnp.int32),
        pltpu.VMEM((2 * _NTH,), jnp.int32),
        pltpu.VMEM((_NTH, _D), jnp.float32),
        pltpu.VMEM((16, _D), jnp.float32),
        pltpu.VMEM((_NTH * _NO,), jnp.int32),
        pltpu.SemaphoreType.DMA,
        pltpu.SemaphoreType.DMA,
    ],
)
def _gather_stage_sc(spans2d, sidx_hbm, ti_hbm, oi_hbm,
                     tsp_hbm, osp_hbm, bkt_hbm,
                     sidx_v, tiv, oiv, tidx, oidx, tse, t_buf, o_buf, bkv,
                     sem_g, sem_w):
    wid = lax.axis_index("s") * 2 + lax.axis_index("c")
    b = wid // 2
    half = wid % 2
    i_lo = half * _NTH

    pltpu.sync_copy(ti_hbm.at[pl.ds(b * _NT + i_lo, _NTH)], tiv)
    pltpu.sync_copy(oi_hbm.at[pl.ds(b * _NO, _NO)], oiv)

    ti = tiv[...]
    oi0 = oiv[pl.ds(0, 16)]
    oi1 = oiv[pl.ds(16, 16)]

    base = b * _S
    tidx[...] = ti + base
    oidx[pl.ds(0, 16)] = oi0 + base
    oidx[pl.ds(16, 16)] = oi1 + base

    cp_t = pltpu.async_copy(spans2d.at[tidx], t_buf, sem_g)
    cp_o = pltpu.async_copy(
        spans2d.at[oidx.at[pl.ds(half * 16, 16)]], o_buf, sem_g)

    pltpu.sync_copy(sidx_hbm, sidx_v)

    t_start = plsc.load_gather(sidx_v, [2 * ti])
    t_end = plsc.load_gather(sidx_v, [2 * ti + 1])
    o_start0 = plsc.load_gather(sidx_v, [2 * oi0])
    o_start1 = plsc.load_gather(sidx_v, [2 * oi1])
    o_end0 = plsc.load_gather(sidx_v, [2 * oi0 + 1])
    o_end1 = plsc.load_gather(sidx_v, [2 * oi1 + 1])

    tse[pl.ds(0, 16)] = t_start
    tse[pl.ds(16, 16)] = t_end

    cp_t.wait()
    cp_o.wait()

    wt = pltpu.async_copy(
        t_buf, tsp_hbm.at[pl.ds(b * _NT + i_lo, _NTH), :], sem_w)
    wo = pltpu.async_copy(
        o_buf, osp_hbm.at[pl.ds(b * _NO + half * 16, 16), :], sem_w)

    def task(i, carry):
        fi = jnp.full((16,), i, jnp.int32)
        a_s = plsc.load_gather(tse, [fi])
        b_s = plsc.load_gather(tse, [fi + 16])
        for h, (o_s, o_e) in enumerate(
                ((o_start0, o_end0), (o_start1, o_end1))):
            md = jnp.minimum(jnp.abs(b_s - o_s), jnp.abs(a_s - o_e))
            bk = jnp.zeros((16,), jnp.int32)
            for t in _BINS:
                bk = bk + (md >= t).astype(jnp.int32)
            bkv[pl.ds(i * _NO + h * 16, 16)] = bk
        return carry

    lax.fori_loop(0, _NTH, task, 0)

    wb = pltpu.async_copy(
        bkv, bkt_hbm.at[pl.ds(b * _NT * _NO + i_lo * _NO, _NTH * _NO)], sem_w)

    wt.wait()
    wo.wait()
    wb.wait()


_TPG = 8


def _assemble_tc(t_ref, o_ref, bk_ref, dist_ref, out_ref):
    o = o_ref[0]
    for i in range(_TPG):
        t_row = t_ref[0, i]
        out_ref[0, i, :, 0:_D] = jnp.broadcast_to(t_row[None, :], (_NO, _D))
        out_ref[0, i, :, _D:2 * _D] = o
        bk = bk_ref[0, i]
        emb = jnp.zeros((_NO, _DD), jnp.float32)
        for k in range(10):
            emb = jnp.where(bk[:, None] == k, dist_ref[k, :][None, :], emb)
        out_ref[0, i, :, 2 * _D:_ROW] = emb


def kernel(spans, span_indices, target_indices, opinion_indices, dist_table):
    spans2d = spans.reshape(_B * _S, _D)
    ti = target_indices.reshape(-1).astype(jnp.int32)
    oi = opinion_indices.reshape(-1).astype(jnp.int32)
    sidx = span_indices.reshape(-1).astype(jnp.int32)

    t_sp, o_sp, bkt = _gather_stage_sc(spans2d, sidx, ti, oi)

    dist_pad = jnp.pad(dist_table, ((0, 16 - dist_table.shape[0]), (0, 0)))
    out = pl.pallas_call(
        _assemble_tc,
        grid=(_B, _NT // _TPG),
        in_specs=[
            pl.BlockSpec((1, _TPG, _D), lambda b, i: (b, i, 0)),
            pl.BlockSpec((1, _NO, _D), lambda b, i: (b, 0, 0)),
            pl.BlockSpec((1, _TPG, _NO), lambda b, i: (b, i, 0)),
            pl.BlockSpec((16, _DD), lambda b, i: (0, 0)),
        ],
        out_specs=pl.BlockSpec((1, _TPG, _NO, _ROW), lambda b, i: (b, i, 0, 0)),
        out_shape=jax.ShapeDtypeStruct((_B, _NT, _NO, _ROW), jnp.float32),
    )(
        t_sp.reshape(_B, _NT, _D),
        o_sp.reshape(_B, _NO, _D),
        bkt.reshape(_B, _NT, _NO),
        dist_pad,
    )
    return out.reshape(_B, _NT * _NO, _ROW)

# --- scband reference (transcript-rebuilt; emitter-appended) ---
"""Pipeline reference for scband-target-opinion-pair-representation-47742856462633 (READ-ONLY COPY).

The authoritative reference and input builder live on the scoring server;
editing this copy changes nothing except your own understanding.
"""

import jax, jax.numpy as jnp
import numpy as np

BUCKET_BINS = np.array([0, 1, 2, 3, 4, 5, 8, 16, 32, 64], dtype=np.int32)


def setup_inputs(seed: int = 0) -> dict:
    key = jax.random.key(seed)
    k1, k2, k3, k4, k5 = jax.random.split(key, 5)
    spans = jax.random.normal(k1, (16, 4096, 512), dtype=jnp.float32)
    span_indices = jax.random.randint(k2, (4096, 2), 0, 2048)
    target_indices = jax.random.randint(k3, (16, 32), 0, 4096)
    opinion_indices = jax.random.randint(k4, (16, 32), 0, 4096)
    # learned parameter: distance bucket embedding table [len(bucket_bins)=10, 128]
    dist_table = jax.random.normal(k5, (10, 128), dtype=jnp.float32)
    return {
        'spans': spans,
        'span_indices': span_indices,
        'target_indices': target_indices,
        'opinion_indices': opinion_indices,
        'dist_table': dist_table,
    }


def reference(spans, span_indices, target_indices, opinion_indices, dist_table):
    bins = jnp.asarray(BUCKET_BINS)
    # gather span (start, end) positions for each candidate target/opinion span id
    t_se = span_indices[target_indices]  # [B, n_t, 2]
    o_se = span_indices[opinion_indices]  # [B, n_o, 2]
    a = t_se[..., 0][:, :, None]  # [B, n_t, 1]
    b = t_se[..., 1][:, :, None]
    c = o_se[..., 0][:, None, :]  # [B, 1, n_o]
    d = o_se[..., 1][:, None, :]
    # min(|b - c|, |a - d|) for every (target, opinion) pair
    md = jnp.minimum(jnp.abs(b - c), jnp.abs(a - d))  # [B, n_t, n_o]
    # bucket = last ix with width >= bucket_bins[ix]
    bucket = jnp.sum(md[..., None] >= bins[None, None, None, :], axis=-1) - 1
    bucket_emb = jnp.take(dist_table, bucket, axis=0)  # [B, n_t, n_o, d_dist]
    # gather candidate span representations
    t_sp = jnp.take_along_axis(spans, target_indices[..., None], axis=1)  # [B, n_t, d]
    o_sp = jnp.take_along_axis(spans, opinion_indices[..., None], axis=1)  # [B, n_o, d]
    B, nt, dd = t_sp.shape
    no = o_sp.shape[1]
    ts = jnp.broadcast_to(t_sp[:, :, None, :], (B, nt, no, dd))
    osp = jnp.broadcast_to(o_sp[:, None, :, :], (B, nt, no, dd))
    out = jnp.concatenate([ts, osp, bucket_emb], axis=-1)  # [B, n_t, n_o, 2d + d_dist]
    out = out.reshape(B, nt * no, 2 * dd + dist_table.shape[1])
    return out

if __name__ == "__main__":
    import jax
    _d = setup_inputs()
    print(jax.jit(kernel)(*tuple(_d.values())))

</pallas_src>

<mosaic_0001>
#map = affine_map<(d0, d1) -> (0, 0)>
#map1 = affine_map<(d0, d1) -> (0)>
module attributes {stable_mosaic.version = 14 : i64} {
  func.func @_gather_stage_sc(%arg0: i32, %arg1: i32, %arg2: memref<65536x512xf32, #tpu.memory_space<hbm>>, %arg3: memref<8192xi32, #tpu.memory_space<hbm>>, %arg4: memref<512xi32, #tpu.memory_space<hbm>>, %arg5: memref<512xi32, #tpu.memory_space<hbm>>, %arg6: memref<512x512xf32, #tpu.memory_space<hbm>>, %arg7: memref<512x512xf32, #tpu.memory_space<hbm>>, %arg8: memref<16384xi32, #tpu.memory_space<hbm>>, %arg9: memref<8192xi32, #tpu.memory_space<vmem>>, %arg10: memref<16xi32, #tpu.memory_space<vmem>>, %arg11: memref<32xi32, #tpu.memory_space<vmem>>, %arg12: memref<16xi32, #tpu.memory_space<vmem>>, %arg13: memref<32xi32, #tpu.memory_space<vmem>>, %arg14: memref<32xi32, #tpu.memory_space<vmem>>, %arg15: memref<16x512xf32, #tpu.memory_space<vmem>>, %arg16: memref<16x512xf32, #tpu.memory_space<vmem>>, %arg17: memref<512xi32, #tpu.memory_space<vmem>>, %arg18: memref<!tpu.dma_semaphore, #tpu.memory_space<semaphore_mem>>, %arg19: memref<!tpu.dma_semaphore, #tpu.memory_space<semaphore_mem>>) attributes {dimension_semantics = [#tpu.dimension_semantics<core_parallel>, #tpu.dimension_semantics<subcore_parallel>], iteration_bounds = array<i64: 2, 16>, scalar_prefetch = 0 : i64, scratch_operands = 11 : i64, tpu.core_type = #tpu.core_type<sc_vector_subcore>, window_params = [{transform_indices = #map}, {transform_indices = #map1}, {transform_indices = #map1}, {transform_indices = #map1}, {transform_indices = #map}, {transform_indices = #map}, {transform_indices = #map1}]} {
    %mul3A = arith.constant 2 : i32
    %mul3A_0 = arith.muli %arg1, %mul3A : i32
    %add3A = arith.addi %mul3A_0, %arg0 : i32
    %jit3A = arith.constant 2 : i32
    %div3A = arith.divsi %add3A, %jit3A : i32
    %sign3A = arith.constant 0 : i32
    %sign3A_1 = arith.cmpi sgt, %add3A, %sign3A : i32
    %sign3A_2 = arith.extui %sign3A_1 : i1 to i32
    %sign3A_3 = arith.constant 0 : i32
    %sign3A_4 = arith.cmpi slt, %add3A, %sign3A_3 : i32
    %sign3A_5 = arith.extui %sign3A_4 : i1 to i32
    %sign3A_6 = arith.subi %sign3A_2, %sign3A_5 : i32
    %sign3A_7 = arith.constant 0 : i32
    %sign3A_8 = arith.cmpi sgt, %jit3A, %sign3A_7 : i32
    %sign3A_9 = arith.extui %sign3A_8 : i1 to i32
    %sign3A_10 = arith.constant 0 : i32
    %sign3A_11 = arith.cmpi slt, %jit3A, %sign3A_10 : i32
    %sign3A_12 = arith.extui %sign3A_11 : i1 to i32
    %sign3A_13 = arith.subi %sign3A_9, %sign3A_12 : i32
    %ne3A = arith.cmpi ne, %sign3A_6, %sign3A_13 : i32
    %rem3A = arith.remsi %add3A, %jit3A : i32
    %ne3A_14 = arith.constant 0 : i32
    %ne3A_15 = arith.cmpi ne, %rem3A, %ne3A_14 : i32
    %and3A = arith.andi %ne3A, %ne3A_15 : i1
    %sub3A = arith.constant 1 : i32
    %sub3A_16 = arith.subi %div3A, %sub3A : i32
    %select_n3A = arith.select %and3A, %sub3A_16, %div3A : i32
    %jit3A_17 = arith.constant 2 : i32
    %eq3A = arith.constant 0 : i32
    %eq3A_18 = arith.cmpi eq, %jit3A_17, %eq3A : i32
    %jit3A_19 = arith.constant 1 : i32
    %select_n3A_20 = arith.select %eq3A_18, %jit3A_19, %jit3A_17 : i32
    %rem3A_21 = arith.remsi %add3A, %select_n3A_20 : i32
    %ne3A_22 = arith.constant 0 : i32
    %ne3A_23 = arith.cmpi ne, %rem3A_21, %ne3A_22 : i32
    %lt3A = arith.constant 0 : i32
    %lt3A_24 = arith.cmpi slt, %rem3A_21, %lt3A : i32
    %lt3A_25 = arith.constant 0 : i32
    %lt3A_26 = arith.cmpi slt, %select_n3A_20, %lt3A_25 : i32
    %ne3A_27 = arith.xori %lt3A_24, %lt3A_26 : i1
    %and3A_28 = arith.andi %ne3A_27, %ne3A_23 : i1
    %add3A_29 = arith.addi %rem3A_21, %select_n3A_20 : i32
    %select_n3A_30 = arith.select %and3A_28, %add3A_29, %rem3A_21 : i32
    %mul3A_31 = arith.constant 16 : i32
    %mul3A_32 = arith.muli %select_n3A_30, %mul3A_31 : i32
    %mul3A_33 = arith.constant 32 : i32
    %mul3A_34 = arith.muli %select_n3A, %mul3A_33 : i32
    %add3A_35 = arith.addi %mul3A_34, %mul3A_32 : i32
    "tpu.region"() ({
      %run_scoped3A = tpu.sem_alloc : memref<!tpu.dma_semaphore, #tpu.memory_space<semaphore_mem>>
      %dma_start3A_146 = tpu.memref_slice %arg4[%add3A_35] : memref<512xi32, #tpu.memory_space<hbm>> -> memref<16xi32, #tpu.memory_space<hbm>>
      %dma_start3A_147 = tpu.memref_slice %arg4[%add3A_35] : memref<512xi32, #tpu.memory_space<hbm>> -> memref<16xi32, #tpu.memory_space<hbm>>
      tpu.enqueue_dma source(%dma_start3A_147 : memref<16xi32, #tpu.memory_space<hbm>>) target(%arg10 : memref<16xi32, #tpu.memory_space<vmem>>) target_semaphore(%run_scoped3A : memref<!tpu.dma_semaphore, #tpu.memory_space<semaphore_mem>>)
      %dma_wait3A_148 = tpu.memref_slice %arg4[%add3A_35] : memref<512xi32, #tpu.memory_space<hbm>> -> memref<16xi32, #tpu.memory_space<hbm>>
      %dma_wait3A_149 = tpu.memref_slice %arg4[%add3A_35] : memref<512xi32, #tpu.memory_space<hbm>> -> memref<16xi32, #tpu.memory_space<hbm>>
      tpu.wait_dma2 semaphore(%run_scoped3A : memref<!tpu.dma_semaphore, #tpu.memory_space<semaphore_mem>>) src(%dma_wait3A_149 : memref<16xi32, #tpu.memory_space<hbm>>) dst(%arg10 : memref<16xi32, #tpu.memory_space<vmem>>)
      tpu.yield
    }) : () -> ()
    %mul3A_36 = arith.constant 32 : i32
    %mul3A_37 = arith.muli %select_n3A, %mul3A_36 : i32
    "tpu.region"() ({
      %run_scoped3A = tpu.sem_alloc : memref<!tpu.dma_semaphore, #tpu.memory_space<semaphore_mem>>
      %dma_start3A_146 = tpu.memref_slice %arg5[%mul3A_37] : memref<512xi32, #tpu.memory_space<hbm>> -> memref<32xi32, #tpu.memory_space<hbm>>
      %dma_start3A_147 = tpu.memref_slice %arg5[%mul3A_37] : memref<512xi32, #tpu.memory_space<hbm>> -> memref<32xi32, #tpu.memory_space<hbm>>
      tpu.enqueue_dma source(%dma_start3A_147 : memref<32xi32, #tpu.memory_space<hbm>>) target(%arg11 : memref<32xi32, #tpu.memory_space<vmem>>) target_semaphore(%run_scoped3A : memref<!tpu.dma_semaphore, #tpu.memory_space<semaphore_mem>>)
      %dma_wait3A_148 = tpu.memref_slice %arg5[%mul3A_37] : memref<512xi32, #tpu.memory_space<hbm>> -> memref<32xi32, #tpu.memory_space<hbm>>
      %dma_wait3A_149 = tpu.memref_slice %arg5[%mul3A_37] : memref<512xi32, #tpu.memory_space<hbm>> -> memref<32xi32, #tpu.memory_space<hbm>>
      tpu.wait_dma2 semaphore(%run_scoped3A : memref<!tpu.dma_semaphore, #tpu.memory_space<semaphore_mem>>) src(%dma_wait3A_149 : memref<32xi32, #tpu.memory_space<hbm>>) dst(%arg11 : memref<32xi32, #tpu.memory_space<vmem>>)
      tpu.yield
    }) : () -> ()
    %get3A = arith.constant 0 : index
    %get3A_38 = tpu.vector_load %arg10[%get3A] {strides = array<i32>} : memref<16xi32, #tpu.memory_space<vmem>>, vector<16xi32>,
    %get3A_39 = arith.constant 0 : index
    %get3A_40 = tpu.vector_load %arg11[%get3A_39] {strides = array<i32>} : memref<32xi32, #tpu.memory_space<vmem>>, vector<16xi32>,
    %get3A_41 = arith.constant 16 : index
    %get3A_42 = tpu.vector_load %arg11[%get3A_41] {strides = array<i32>} : memref<32xi32, #tpu.memory_space<vmem>>, vector<16xi32>,
    %mul3A_43 = arith.constant 4096 : i32
    %mul3A_44 = arith.muli %select_n3A, %mul3A_43 : i32
    %add3A_45 = vector.broadcast %mul3A_44 : i32 to vector<16xi32>
    %add3A_46 = arith.addi %get3A_38, %add3A_45 : vector<16xi32>
    %swap3A = arith.constant 0 : index
    %swap3A_47 = tpu.vector_load %arg12[%swap3A] {strides = array<i32>} : memref<16xi32, #tpu.memory_space<vmem>>, vector<16xi32>,
    tpu.vector_store %arg12[%swap3A], %add3A_46 {strides = array<i32>} : memref<16xi32, #tpu.memory_space<vmem>>, vector<16xi32>,
    %add3A_48 = vector.broadcast %mul3A_44 : i32 to vector<16xi32>
    %add3A_49 = arith.addi %get3A_40, %add3A_48 : vector<16xi32>
    %swap3A_50 = arith.constant 0 : index
    %swap3A_51 = tpu.vector_load %arg13[%swap3A_50] {strides = array<i32>} : memref<32xi32, #tpu.memory_space<vmem>>, vector<16xi32>,
    tpu.vector_store %arg13[%swap3A_50], %add3A_49 {strides = array<i32>} : memref<32xi32, #tpu.memory_space<vmem>>, vector<16xi32>,
    %add3A_52 = vector.broadcast %mul3A_44 : i32 to vector<16xi32>
    %add3A_53 = arith.addi %get3A_42, %add3A_52 : vector<16xi32>
    %swap3A_54 = arith.constant 16 : index
    %swap3A_55 = tpu.vector_load %arg13[%swap3A_54] {strides = array<i32>} : memref<32xi32, #tpu.memory_space<vmem>>, vector<16xi32>,
    tpu.vector_store %arg13[%swap3A_54], %add3A_53 {strides = array<i32>} : memref<32xi32, #tpu.memory_space<vmem>>, vector<16xi32>,
    %dma_start3A = arith.constant 0 : i32
    %dma_start3A_56 = arith.constant 0 : i32
    %dma_start3A_57 = tpu.memref_slice %arg2[%dma_start3A, %dma_start3A_56] : memref<65536x512xf32, #tpu.memory_space<hbm>> -> memref<65536x512xf32, #tpu.memory_space<hbm>>
    tpu.enqueue_indirect_dma source(%dma_start3A_57 : memref<65536x512xf32, #tpu.memory_space<hbm>>) target(%arg15 : memref<16x512xf32, #tpu.memory_space<vmem>>) offsets(%arg12 : memref<16xi32, #tpu.memory_space<vmem>>) semaphore(%arg18 : memref<!tpu.dma_semaphore, #tpu.memory_space<semaphore_mem>>)
    %mul3A_58 = arith.constant 16 : i32
    %mul3A_59 = arith.muli %select_n3A_30, %mul3A_58 : i32
    %dma_start3A_60 = tpu.memref_slice %arg13[%mul3A_59] : memref<32xi32, #tpu.memory_space<vmem>> -> memref<16xi32, #tpu.memory_space<vmem>>
    %dma_start3A_61 = arith.constant 0 : i32
    %dma_start3A_62 = arith.constant 0 : i32
    %dma_start3A_63 = tpu.memref_slice %arg2[%dma_start3A_61, %dma_start3A_62] : memref<65536x512xf32, #tpu.memory_space<hbm>> -> memref<65536x512xf32, #tpu.memory_space<hbm>>
    tpu.enqueue_indirect_dma source(%dma_start3A_63 : memref<65536x512xf32, #tpu.memory_space<hbm>>) target(%arg16 : memref<16x512xf32, #tpu.memory_space<vmem>>) offsets(%dma_start3A_60 : memref<16xi32, #tpu.memory_space<vmem>>) semaphore(%arg18 : memref<!tpu.dma_semaphore, #tpu.memory_space<semaphore_mem>>)
    "tpu.region"() ({
      %run_scoped3A = tpu.sem_alloc : memref<!tpu.dma_semaphore, #tpu.memory_space<semaphore_mem>>
      tpu.enqueue_dma source(%arg3 : memref<8192xi32, #tpu.memory_space<hbm>>) target(%arg9 : memref<8192xi32, #tpu.memory_space<vmem>>) target_semaphore(%run_scoped3A : memref<!tpu.dma_semaphore, #tpu.memory_space<semaphore_mem>>)
      tpu.wait_dma2 semaphore(%run_scoped3A : memref<!tpu.dma_semaphore, #tpu.memory_space<semaphore_mem>>) src(%arg3 : memref<8192xi32, #tpu.memory_space<hbm>>) dst(%arg9 : memref<8192xi32, #tpu.memory_space<vmem>>)
      tpu.yield
    }) : () -> ()
    %mul3A_64 = arith.constant 2 : i32
    %mul3A_65 = vector.broadcast %mul3A_64 : i32 to vector<16xi32>
    %mul3A_66 = arith.muli %mul3A_65, %get3A_38 : vector<16xi32>
    %gather3A = tpu.vector_load_idx %arg9[%mul3A_66] : memref<8192xi32, #tpu.memory_space<vmem>>[vector<16xi32>], vector<16xi32>,
    %mul3A_67 = arith.constant 2 : i32
    %mul3A_68 = vector.broadcast %mul3A_67 : i32 to vector<16xi32>
    %mul3A_69 = arith.muli %mul3A_68, %get3A_38 : vector<16xi32>
    %add3A_70 = arith.constant 1 : i32
    %add3A_71 = vector.broadcast %add3A_70 : i32 to vector<16xi32>
    %add3A_72 = arith.addi %mul3A_69, %add3A_71 : vector<16xi32>
    %gather3A_73 = tpu.vector_load_idx %arg9[%add3A_72] : memref<8192xi32, #tpu.memory_space<vmem>>[vector<16xi32>], vector<16xi32>,
    %mul3A_74 = arith.constant 2 : i32
    %mul3A_75 = vector.broadcast %mul3A_74 : i32 to vector<16xi32>
    %mul3A_76 = arith.muli %mul3A_75, %get3A_40 : vector<16xi32>
    %gather3A_77 = tpu.vector_load_idx %arg9[%mul3A_76] : memref<8192xi32, #tpu.memory_space<vmem>>[vector<16xi32>], vector<16xi32>,
    %mul3A_78 = arith.constant 2 : i32
    %mul3A_79 = vector.broadcast %mul3A_78 : i32 to vector<16xi32>
    %mul3A_80 = arith.muli %mul3A_79, %get3A_42 : vector<16xi32>
    %gather3A_81 = tpu.vector_load_idx %arg9[%mul3A_80] : memref<8192xi32, #tpu.memory_space<vmem>>[vector<16xi32>], vector<16xi32>,
    %mul3A_82 = arith.constant 2 : i32
    %mul3A_83 = vector.broadcast %mul3A_82 : i32 to vector<16xi32>
    %mul3A_84 = arith.muli %mul3A_83, %get3A_40 : vector<16xi32>
    %add3A_85 = arith.constant 1 : i32
    %add3A_86 = vector.broadcast %add3A_85 : i32 to vector<16xi32>
    %add3A_87 = arith.addi %mul3A_84, %add3A_86 : vector<16xi32>
    %gather3A_88 = tpu.vector_load_idx %arg9[%add3A_87] : memref<8192xi32, #tpu.memory_space<vmem>>[vector<16xi32>], vector<16xi32>,
    %mul3A_89 = arith.constant 2 : i32
    %mul3A_90 = vector.broadcast %mul3A_89 : i32 to vector<16xi32>
    %mul3A_91 = arith.muli %mul3A_90, %get3A_42 : vector<16xi32>
    %add3A_92 = arith.constant 1 : i32
    %add3A_93 = vector.broadcast %add3A_92 : i32 to vector<16xi32>
    %add3A_94 = arith.addi %mul3A_91, %add3A_93 : vector<16xi32>
    %gather3A_95 = tpu.vector_load_idx %arg9[%add3A_94] : memref<8192xi32, #tpu.memory_space<vmem>>[vector<16xi32>], vector<16xi32>,
    %swap3A_96 = arith.constant 0 : index
    %swap3A_97 = tpu.vector_load %arg14[%swap3A_96] {strides = array<i32>} : memref<32xi32, #tpu.memory_space<vmem>>, vector<16xi32>,
    tpu.vector_store %arg14[%swap3A_96], %gather3A {strides = array<i32>} : memref<32xi32, #tpu.memory_space<vmem>>, vector<16xi32>,
    %swap3A_98 = arith.constant 16 : index
    %swap3A_99 = tpu.vector_load %arg14[%swap3A_98] {strides = array<i32>} : memref<32xi32, #tpu.memory_space<vmem>>, vector<16xi32>,
    tpu.vector_store %arg14[%swap3A_98], %gather3A_73 {strides = array<i32>} : memref<32xi32, #tpu.memory_space<vmem>>, vector<16xi32>,
    %dma_wait3A = arith.constant 0 : i32
    %dma_wait3A_100 = arith.constant 0 : i32
    %dma_wait3A_101 = tpu.memref_slice %arg2[%dma_wait3A, %dma_wait3A_100] : memref<65536x512xf32, #tpu.memory_space<hbm>> -> memref<65536x512xf32, #tpu.memory_space<hbm>>
    tpu.wait_indirect_dma semaphore(%arg18 : memref<!tpu.dma_semaphore, #tpu.memory_space<semaphore_mem>>) src(%dma_wait3A_101 : memref<65536x512xf32, #tpu.memory_space<hbm>>) dst(%arg15 : memref<16x512xf32, #tpu.memory_space<vmem>>)
    %dma_wait3A_102 = tpu.memref_slice %arg13[%mul3A_59] : memref<32xi32, #tpu.memory_space<vmem>> -> memref<16xi32, #tpu.memory_space<vmem>>
    %dma_wait3A_103 = arith.constant 0 : i32
    %dma_wait3A_104 = arith.constant 0 : i32
    %dma_wait3A_105 = tpu.memref_slice %arg2[%dma_wait3A_103, %dma_wait3A_104] : memref<65536x512xf32, #tpu.memory_space<hbm>> -> memref<65536x512xf32, #tpu.memory_space<hbm>>
    tpu.wait_indirect_dma semaphore(%arg18 : memref<!tpu.dma_semaphore, #tpu.memory_space<semaphore_mem>>) src(%dma_wait3A_105 : memref<65536x512xf32, #tpu.memory_space<hbm>>) dst(%arg16 : memref<16x512xf32, #tpu.memory_space<vmem>>)
    %mul3A_106 = arith.constant 32 : i32
    %mul3A_107 = arith.muli %select_n3A, %mul3A_106 : i32
    %add3A_108 = arith.addi %mul3A_107, %mul3A_32 : i32
    %dma_start3A_109 = arith.constant 0 : i32
    %dma_start3A_110 = tpu.memref_slice %arg6[%add3A_108, %dma_start3A_109] : memref<512x512xf32, #tpu.memory_space<hbm>> -> memref<16x512xf32, #tpu.memory_space<hbm>>
    %dma_start3A_111 = arith.constant 0 : i32
    %dma_start3A_112 = tpu.memref_slice %arg6[%add3A_108, %dma_start3A_111] : memref<512x512xf32, #tpu.memory_space<hbm>> -> memref<16x512xf32, #tpu.memory_space<hbm>>
    tpu.enqueue_dma source(%arg15 : memref<16x512xf32, #tpu.memory_space<vmem>>) target(%dma_start3A_112 : memref<16x512xf32, #tpu.memory_space<hbm>>) target_semaphore(%arg19 : memref<!tpu.dma_semaphore, #tpu.memory_space<semaphore_mem>>)
    %mul3A_113 = arith.constant 32 : i32
    %mul3A_114 = arith.muli %select_n3A, %mul3A_113 : i32
    %mul3A_115 = arith.constant 16 : i32
    %mul3A_116 = arith.muli %select_n3A_30, %mul3A_115 : i32
    %add3A_117 = arith.addi %mul3A_114, %mul3A_116 : i32
    %dma_start3A_118 = arith.constant 0 : i32
    %dma_start3A_119 = tpu.memref_slice %arg7[%add3A_117, %dma_start3A_118] : memref<512x512xf32, #tpu.memory_space<hbm>> -> memref<16x512xf32, #tpu.memory_space<hbm>>
    %dma_start3A_120 = arith.constant 0 : i32
    %dma_start3A_121 = tpu.memref_slice %arg7[%add3A_117, %dma_start3A_120] : memref<512x512xf32, #tpu.memory_space<hbm>> -> memref<16x512xf32, #tpu.memory_space<hbm>>
    tpu.enqueue_dma source(%arg16 : memref<16x512xf32, #tpu.memory_space<vmem>>) target(%dma_start3A_121 : memref<16x512xf32, #tpu.memory_space<hbm>>) target_semaphore(%arg19 : memref<!tpu.dma_semaphore, #tpu.memory_space<semaphore_mem>>)
    %scan3A = arith.constant 0 : i32
    %scan3A_122 = arith.constant 0 : i32
    %scan3A_123 = arith.constant 16 : i32
    %scan3A_124 = arith.addi %scan3A_122, %scan3A_123 : i32
    %scan3A_125 = arith.constant 1 : i32
    scf.for %scan3A_146 = %scan3A_122 to %scan3A_124 step %scan3A_125  : i32 {
      %broadcast_in_dim3A = vector.broadcast %scan3A_146 : i32 to vector<16xi32>
      %gather3A_147 = tpu.vector_load_idx %arg14[%broadcast_in_dim3A] : memref<32xi32, #tpu.memory_space<vmem>>[vector<16xi32>], vector<16xi32>,
      %add3A_148 = arith.constant 16 : i32
      %add3A_149 = vector.broadcast %add3A_148 : i32 to vector<16xi32>
      %add3A_150 = arith.addi %broadcast_in_dim3A, %add3A_149 : vector<16xi32>
      %gather3A_151 = tpu.vector_load_idx %arg14[%add3A_150] : memref<32xi32, #tpu.memory_space<vmem>>[vector<16xi32>], vector<16xi32>,
      %sub3A_152 = arith.subi %gather3A_151, %gather3A_77 : vector<16xi32>
      %abs3A = math.absi %sub3A_152 : vector<16xi32>
      %sub3A_153 = arith.subi %gather3A_147, %gather3A_88 : vector<16xi32>
      %abs3A_154 = math.absi %sub3A_153 : vector<16xi32>
      %min3A = arith.minsi %abs3A, %abs3A_154 : vector<16xi32>
      %broadcast_in_dim3A_155 = arith.constant 0 : i32
      %broadcast_in_dim3A_156 = vector.broadcast %broadcast_in_dim3A_155 : i32 to vector<16xi32>
      %ge3A = arith.constant 1 : i32
      %ge3A_157 = vector.broadcast %ge3A : i32 to vector<16xi32>
      %ge3A_158 = arith.cmpi sge, %min3A, %ge3A_157 : vector<16xi32>
      %convert_element_type3A = arith.extui %ge3A_158 : vector<16xi1> to vector<16xi32>
      %add3A_159 = arith.addi %broadcast_in_dim3A_156, %convert_element_type3A : vector<16xi32>
      %ge3A_160 = arith.constant 2 : i32
      %ge3A_161 = vector.broadcast %ge3A_160 : i32 to vector<16xi32>
      %ge3A_162 = arith.cmpi sge, %min3A, %ge3A_161 : vector<16xi32>
      %convert_element_type3A_163 = arith.extui %ge3A_162 : vector<16xi1> to vector<16xi32>
      %add3A_164 = arith.addi %add3A_159, %convert_element_type3A_163 : vector<16xi32>
      %ge3A_165 = arith.constant 3 : i32
      %ge3A_166 = vector.broadcast %ge3A_165 : i32 to vector<16xi32>
      %ge3A_167 = arith.cmpi sge, %min3A, %ge3A_166 : vector<16xi32>
      %convert_element_type3A_168 = arith.extui %ge3A_167 : vector<16xi1> to vector<16xi32>
      %add3A_169 = arith.addi %add3A_164, %convert_element_type3A_168 : vector<16xi32>
      %ge3A_170 = arith.constant 4 : i32
      %ge3A_171 = vector.broadcast %ge3A_170 : i32 to vector<16xi32>
      %ge3A_172 = arith.cmpi sge, %min3A, %ge3A_171 : vector<16xi32>
      %convert_element_type3A_173 = arith.extui %ge3A_172 : vector<16xi1> to vector<16xi32>
      %add3A_174 = arith.addi %add3A_169, %convert_element_type3A_173 : vector<16xi32>
      %ge3A_175 = arith.constant 5 : i32
      %ge3A_176 = vector.broadcast %ge3A_175 : i32 to vector<16xi32>
      %ge3A_177 = arith.cmpi sge, %min3A, %ge3A_176 : vector<16xi32>
      %convert_element_type3A_178 = arith.extui %ge3A_177 : vector<16xi1> to vector<16xi32>
      %add3A_179 = arith.addi %add3A_174, %convert_element_type3A_178 : vector<16xi32>
      %ge3A_180 = arith.constant 8 : i32
      %ge3A_181 = vector.broadcast %ge3A_180 : i32 to vector<16xi32>
      %ge3A_182 = arith.cmpi sge, %min3A, %ge3A_181 : vector<16xi32>
      %convert_element_type3A_183 = arith.extui %ge3A_182 : vector<16xi1> to vector<16xi32>
      %add3A_184 = arith.addi %add3A_179, %convert_element_type3A_183 : vector<16xi32>
      %ge3A_185 = arith.constant 16 : i32
      %ge3A_186 = vector.broadcast %ge3A_185 : i32 to vector<16xi32>
      %ge3A_187 = arith.cmpi sge, %min3A, %ge3A_186 : vector<16xi32>
      %convert_element_type3A_188 = arith.extui %ge3A_187 : vector<16xi1> to vector<16xi32>
      %add3A_189 = arith.addi %add3A_184, %convert_element_type3A_188 : vector<16xi32>
      %ge3A_190 = arith.constant 32 : i32
      %ge3A_191 = vector.broadcast %ge3A_190 : i32 to vector<16xi32>
      %ge3A_192 = arith.cmpi sge, %min3A, %ge3A_191 : vector<16xi32>
      %convert_element_type3A_193 = arith.extui %ge3A_192 : vector<16xi1> to vector<16xi32>
      %add3A_194 = arith.addi %add3A_189, %convert_element_type3A_193 : vector<16xi32>
      %ge3A_195 = arith.constant 64 : i32
      %ge3A_196 = vector.broadcast %ge3A_195 : i32 to vector<16xi32>
      %ge3A_197 = arith.cmpi sge, %min3A, %ge3A_196 : vector<16xi32>
      %convert_element_type3A_198 = arith.extui %ge3A_197 : vector<16xi1> to vector<16xi32>
      %add3A_199 = arith.addi %add3A_194, %convert_element_type3A_198 : vector<16xi32>
      %mul3A_200 = arith.constant 32 : i32
      %mul3A_201 = arith.muli %scan3A_146, %mul3A_200 : i32
      %add3A_202 = arith.constant 0 : i32
      %add3A_203 = arith.addi %mul3A_201, %add3A_202 : i32
      %swap3A_204 = arith.index_cast %add3A_203 : i32 to index
      %swap3A_205 = tpu.vector_load %arg17[%swap3A_204] {strides = array<i32>} : memref<512xi32, #tpu.memory_space<vmem>>, vector<16xi32>,
      tpu.vector_store %arg17[%swap3A_204], %add3A_199 {strides = array<i32>} : memref<512xi32, #tpu.memory_space<vmem>>, vector<16xi32>,
      %sub3A_206 = arith.subi %gather3A_151, %gather3A_81 : vector<16xi32>
      %abs3A_207 = math.absi %sub3A_206 : vector<16xi32>
      %sub3A_208 = arith.subi %gather3A_147, %gather3A_95 : vector<16xi32>
      %abs3A_209 = math.absi %sub3A_208 : vector<16xi32>
      %min3A_210 = arith.minsi %abs3A_207, %abs3A_209 : vector<16xi32>
      %broadcast_in_dim3A_211 = arith.constant 0 : i32
      %broadcast_in_dim3A_212 = vector.broadcast %broadcast_in_dim3A_211 : i32 to vector<16xi32>
      %ge3A_213 = arith.constant 1 : i32
      %ge3A_214 = vector.broadcast %ge3A_213 : i32 to vector<16xi32>
      %ge3A_215 = arith.cmpi sge, %min3A_210, %ge3A_214 : vector<16xi32>
      %convert_element_type3A_216 = arith.extui %ge3A_215 : vector<16xi1> to vector<16xi32>
      %add3A_217 = arith.addi %broadcast_in_dim3A_212, %convert_element_type3A_216 : vector<16xi32>
      %ge3A_218 = arith.constant 2 : i32
      %ge3A_219 = vector.broadcast %ge3A_218 : i32 to vector<16xi32>
      %ge3A_220 = arith.cmpi sge, %min3A_210, %ge3A_219 : vector<16xi32>
      %convert_element_type3A_221 = arith.extui %ge3A_220 : vector<16xi1> to vector<16xi32>
      %add3A_222 = arith.addi %add3A_217, %convert_element_type3A_221 : vector<16xi32>
      %ge3A_223 = arith.constant 3 : i32
      %ge3A_224 = vector.broadcast %ge3A_223 : i32 to vector<16xi32>
      %ge3A_225 = arith.cmpi sge, %min3A_210, %ge3A_224 : vector<16xi32>
      %convert_element_type3A_226 = arith.extui %ge3A_225 : vector<16xi1> to vector<16xi32>
      %add3A_227 = arith.addi %add3A_222, %convert_element_type3A_226 : vector<16xi32>
      %ge3A_228 = arith.constant 4 : i32
      %ge3A_229 = vector.broadcast %ge3A_228 : i32 to vector<16xi32>
      %ge3A_230 = arith.cmpi sge, %min3A_210, %ge3A_229 : vector<16xi32>
      %convert_element_type3A_231 = arith.extui %ge3A_230 : vector<16xi1> to vector<16xi32>
      %add3A_232 = arith.addi %add3A_227, %convert_element_type3A_231 : vector<16xi32>
      %ge3A_233 = arith.constant 5 : i32
      %ge3A_234 = vector.broadcast %ge3A_233 : i32 to vector<16xi32>
      %ge3A_235 = arith.cmpi sge, %min3A_210, %ge3A_234 : vector<16xi32>
      %convert_element_type3A_236 = arith.extui %ge3A_235 : vector<16xi1> to vector<16xi32>
      %add3A_237 = arith.addi %add3A_232, %convert_element_type3A_236 : vector<16xi32>
      %ge3A_238 = arith.constant 8 : i32
      %ge3A_239 = vector.broadcast %ge3A_238 : i32 to vector<16xi32>
      %ge3A_240 = arith.cmpi sge, %min3A_210, %ge3A_239 : vector<16xi32>
      %convert_element_type3A_241 = arith.extui %ge3A_240 : vector<16xi1> to vector<16xi32>
      %add3A_242 = arith.addi %add3A_237, %convert_element_type3A_241 : vector<16xi32>
      %ge3A_243 = arith.constant 16 : i32
      %ge3A_244 = vector.broadcast %ge3A_243 : i32 to vector<16xi32>
      %ge3A_245 = arith.cmpi sge, %min3A_210, %ge3A_244 : vector<16xi32>
      %convert_element_type3A_246 = arith.extui %ge3A_245 : vector<16xi1> to vector<16xi32>
      %add3A_247 = arith.addi %add3A_242, %convert_element_type3A_246 : vector<16xi32>
      %ge3A_248 = arith.constant 32 : i32
      %ge3A_249 = vector.broadcast %ge3A_248 : i32 to vector<16xi32>
      %ge3A_250 = arith.cmpi sge, %min3A_210, %ge3A_249 : vector<16xi32>
      %convert_element_type3A_251 = arith.extui %ge3A_250 : vector<16xi1> to vector<16xi32>
      %add3A_252 = arith.addi %add3A_247, %convert_element_type3A_251 : vector<16xi32>
      %ge3A_253 = arith.constant 64 : i32
      %ge3A_254 = vector.broadcast %ge3A_253 : i32 to vector<16xi32>
      %ge3A_255 = arith.cmpi sge, %min3A_210, %ge3A_254 : vector<16xi32>
      %convert_element_type3A_256 = arith.extui %ge3A_255 : vector<16xi1> to vector<16xi32>
      %add3A_257 = arith.addi %add3A_252, %convert_element_type3A_256 : vector<16xi32>
      %mul3A_258 = arith.constant 32 : i32
      %mul3A_259 = arith.muli %scan3A_146, %mul3A_258 : i32
      %add3A_260 = arith.constant 16 : i32
      %add3A_261 = arith.addi %mul3A_259, %add3A_260 : i32
      %swap3A_262 = arith.index_cast %add3A_261 : i32 to index
      %swap3A_263 = tpu.vector_load %arg17[%swap3A_262] {strides = array<i32>} : memref<512xi32, #tpu.memory_space<vmem>>, vector<16xi32>,
      tpu.vector_store %arg17[%swap3A_262], %add3A_257 {strides = array<i32>} : memref<512xi32, #tpu.memory_space<vmem>>, vector<16xi32>,
    }
    %scan3A_126 = arith.constant 16 : i32
    %mul3A_127 = arith.constant 32 : i32
    %mul3A_128 = arith.muli %select_n3A, %mul3A_127 : i32
    %mul3A_129 = arith.constant 32 : i32
    %mul3A_130 = arith.muli %mul3A_128, %mul3A_129 : i32
    %mul3A_131 = arith.constant 32 : i32
    %mul3A_132 = arith.muli %mul3A_32, %mul3A_131 : i32
    %add3A_133 = arith.addi %mul3A_130, %mul3A_132 : i32
    %dma_start3A_134 = tpu.memref_slice %arg8[%add3A_133] : memref<16384xi32, #tpu.memory_space<hbm>> -> memref<512xi32, #tpu.memory_space<hbm>>
    %dma_start3A_135 = tpu.memref_slice %arg8[%add3A_133] : memref<16384xi32, #tpu.memory_space<hbm>> -> memref<512xi32, #tpu.memory_space<hbm>>
    tpu.enqueue_dma source(%arg17 : memref<512xi32, #tpu.memory_space<vmem>>) target(%dma_start3A_135 : memref<512xi32, #tpu.memory_space<hbm>>) target_semaphore(%arg19 : memref<!tpu.dma_semaphore, #tpu.memory_space<semaphore_mem>>)
    %dma_wait3A_136 = arith.constant 0 : i32
    %dma_wait3A_137 = tpu.memref_slice %arg6[%add3A_108, %dma_wait3A_136] : memref<512x512xf32, #tpu.memory_space<hbm>> -> memref<16x512xf32, #tpu.memory_space<hbm>>
    %dma_wait3A_138 = arith.constant 0 : i32
    %dma_wait3A_139 = tpu.memref_slice %arg6[%add3A_108, %dma_wait3A_138] : memref<512x512xf32, #tpu.memory_space<hbm>> -> memref<16x512xf32, #tpu.memory_space<hbm>>
    tpu.wait_dma2 semaphore(%arg19 : memref<!tpu.dma_semaphore, #tpu.memory_space<semaphore_mem>>) src(%arg15 : memref<16x512xf32, #tpu.memory_space<vmem>>) dst(%dma_wait3A_139 : memref<16x512xf32, #tpu.memory_space<hbm>>)
    %dma_wait3A_140 = arith.constant 0 : i32
    %dma_wait3A_141 = tpu.memref_slice %arg7[%add3A_117, %dma_wait3A_140] : memref<512x512xf32, #tpu.memory_space<hbm>> -> memref<16x512xf32, #tpu.memory_space<hbm>>
    %dma_wait3A_142 = arith.constant 0 : i32
    %dma_wait3A_143 = tpu.memref_slice %arg7[%add3A_117, %dma_wait3A_142] : memref<512x512xf32, #tpu.memory_space<hbm>> -> memref<16x512xf32, #tpu.memory_space<hbm>>
    tpu.wait_dma2 semaphore(%arg19 : memref<!tpu.dma_semaphore, #tpu.memory_space<semaphore_mem>>) src(%arg16 : memref<16x512xf32, #tpu.memory_space<vmem>>) dst(%dma_wait3A_143 : memref<16x512xf32, #tpu.memory_space<hbm>>)
    %dma_wait3A_144 = tpu.memref_slice %arg8[%add3A_133] : memref<16384xi32, #tpu.memory_space<hbm>> -> memref<512xi32, #tpu.memory_space<hbm>>
    %dma_wait3A_145 = tpu.memref_slice %arg8[%add3A_133] : memref<16384xi32, #tpu.memory_space<hbm>> -> memref<512xi32, #tpu.memory_space<hbm>>
    tpu.wait_dma2 semaphore(%arg19 : memref<!tpu.dma_semaphore, #tpu.memory_space<semaphore_mem>>) src(%arg17 : memref<512xi32, #tpu.memory_space<vmem>>) dst(%dma_wait3A_145 : memref<512xi32, #tpu.memory_space<hbm>>)
    return
  }
}

module attributes {stable_mosaic.version = 14 : i64} {
  func.func @_assemble_tc(%arg0: i32, %arg1: i32, %arg2: memref<1x8x512xf32, #tpu.memory_space<vmem>>, %arg3: memref<1x32x512xf32, #tpu.memory_space<vmem>>, %arg4: memref<1x8x32xi32, #tpu.memory_space<vmem>>, %arg5: memref<16x128xf32, #tpu.memory_space<vmem>>, %arg6: memref<1x8x32x1152xf32, #tpu.memory_space<vmem>>) attributes {dimension_semantics = [#tpu.dimension_semantics<arbitrary>, #tpu.dimension_semantics<arbitrary>], iteration_bounds = array<i64: 16, 4>, scalar_prefetch = 0 : i64, scratch_operands = 0 : i64, tpu.core_type = #tpu.core_type<tc>, window_params = [{transform_indices = @transform_0, window_bounds = array<i64: 1, 8, 512>}, {transform_indices = @transform_1, window_bounds = array<i64: 1, 32, 512>}, {transform_indices = @transform_2, window_bounds = array<i64: 1, 8, 32>}, {pipeline_mode = #tpu.pipeline_mode<synchronous>, transform_indices = @transform_3, window_bounds = array<i64: 16, 128>}, {transform_indices = @transform_4, window_bounds = array<i64: 1, 8, 32, 1152>}]} {
    %get3A = arith.constant 0 : index
    %get3A_0 = arith.constant 0 : index
    %get3A_1 = arith.constant 0 : index
    %get3A_2 = vector.load %arg3[%get3A, %get3A_0, %get3A_1] : memref<1x32x512xf32, #tpu.memory_space<vmem>>, vector<1x32x512xf32>
    %get3A_3 = vector.shape_cast %get3A_2 : vector<1x32x512xf32> to vector<32x512xf32>
    %get3A_4 = arith.constant 0 : index
    %get3A_5 = arith.constant 0 : index
    %get3A_6 = arith.constant 0 : index
    %get3A_7 = vector.load %arg2[%get3A_4, %get3A_5, %get3A_6] : memref<1x8x512xf32, #tpu.memory_space<vmem>>, vector<1x1x512xf32>
    %get3A_8 = vector.shape_cast %get3A_7 : vector<1x1x512xf32> to vector<512xf32>
    %broadcast_in_dim3A = vector.shape_cast %get3A_8 : vector<512xf32> to vector<1x512xf32>
    %broadcast_in_dim3A_9 = vector.shape_cast %broadcast_in_dim3A : vector<1x512xf32> to vector<1x512xf32>
    %broadcast_in_dim3A_10 = vector.broadcast %broadcast_in_dim3A_9 : vector<1x512xf32> to vector<32x512xf32>
    %swap3A = arith.constant 0 : index
    %swap3A_11 = arith.constant 0 : index
    %swap3A_12 = arith.constant 0 : index
    %swap3A_13 = arith.constant 0 : index
    %swap3A_14 = vector.load %arg6[%swap3A, %swap3A_11, %swap3A_12, %swap3A_13] : memref<1x8x32x1152xf32, #tpu.memory_space<vmem>>, vector<1x1x32x512xf32>
    %swap3A_15 = vector.shape_cast %swap3A_14 : vector<1x1x32x512xf32> to vector<32x512xf32>
    %swap3A_16 = vector.shape_cast %broadcast_in_dim3A_10 : vector<32x512xf32> to vector<1x1x32x512xf32>
    tpu.vector_store %arg6[%swap3A, %swap3A_11, %swap3A_12, %swap3A_13], %swap3A_16 {strides = array<i32>} : memref<1x8x32x1152xf32, #tpu.memory_space<vmem>>, vector<1x1x32x512xf32>,
    %swap3A_17 = arith.constant 0 : index
    %swap3A_18 = arith.constant 0 : index
    %swap3A_19 = arith.constant 0 : index
    %swap3A_20 = arith.constant 512 : index
    %swap3A_21 = vector.load %arg6[%swap3A_17, %swap3A_18, %swap3A_19, %swap3A_20] : memref<1x8x32x1152xf32, #tpu.memory_space<vmem>>, vector<1x1x32x512xf32>
    %swap3A_22 = vector.shape_cast %swap3A_21 : vector<1x1x32x512xf32> to vector<32x512xf32>
    %swap3A_23 = vector.shape_cast %get3A_3 : vector<32x512xf32> to vector<1x1x32x512xf32>
    tpu.vector_store %arg6[%swap3A_17, %swap3A_18, %swap3A_19, %swap3A_20], %swap3A_23 {strides = array<i32>} : memref<1x8x32x1152xf32, #tpu.memory_space<vmem>>, vector<1x1x32x512xf32>,
    %get3A_24 = arith.constant 0 : index
    %get3A_25 = arith.constant 0 : index
    %get3A_26 = arith.constant 0 : index
    %get3A_27 = vector.load %arg4[%get3A_24, %get3A_25, %get3A_26] : memref<1x8x32xi32, #tpu.memory_space<vmem>>, vector<1x1x32xi32>
    %get3A_28 = vector.shape_cast %get3A_27 : vector<1x1x32xi32> to vector<32xi32>
    %broadcast_in_dim3A_29 = arith.constant 0.000000e+00 : f32
    %broadcast_in_dim3A_30 = vector.broadcast %broadcast_in_dim3A_29 : f32 to vector<32x128xf32>
    %broadcast_in_dim3A_31 = vector.shape_cast %get3A_28 : vector<32xi32> to vector<32x1xi32>
    %eq3A = arith.constant 0 : i32
    %eq3A_32 = vector.broadcast %eq3A : i32 to vector<32x1xi32>
    %eq3A_33 = arith.cmpi eq, %broadcast_in_dim3A_31, %eq3A_32 : vector<32x1xi32>
    %get3A_34 = arith.constant 0 : index
    %get3A_35 = arith.constant 0 : index
    %get3A_36 = vector.load %arg5[%get3A_34, %get3A_35] : memref<16x128xf32, #tpu.memory_space<vmem>>, vector<1x128xf32>
    %get3A_37 = vector.shape_cast %get3A_36 : vector<1x128xf32> to vector<128xf32>
    %broadcast_in_dim3A_38 = vector.shape_cast %get3A_37 : vector<128xf32> to vector<1x128xf32>
    %broadcast_in_dim3A_39 = vector.shape_cast %eq3A_33 : vector<32x1xi1> to vector<32x1xi1>
    %broadcast_in_dim3A_40 = vector.broadcast %broadcast_in_dim3A_39 : vector<32x1xi1> to vector<32x128xi1>
    %broadcast_in_dim3A_41 = vector.shape_cast %broadcast_in_dim3A_38 : vector<1x128xf32> to vector<1x128xf32>
    %broadcast_in_dim3A_42 = vector.broadcast %broadcast_in_dim3A_41 : vector<1x128xf32> to vector<32x128xf32>
    %select_n3A = arith.select %broadcast_in_dim3A_40, %broadcast_in_dim3A_42, %broadcast_in_dim3A_30 : vector<32x128xi1>, vector<32x128xf32>
    %broadcast_in_dim3A_43 = vector.shape_cast %get3A_28 : vector<32xi32> to vector<32x1xi32>
    %eq3A_44 = arith.constant 1 : i32
    %eq3A_45 = vector.broadcast %eq3A_44 : i32 to vector<32x1xi32>
    %eq3A_46 = arith.cmpi eq, %broadcast_in_dim3A_43, %eq3A_45 : vector<32x1xi32>
    %get3A_47 = arith.constant 1 : index
    %get3A_48 = arith.constant 0 : index
    %get3A_49 = vector.load %arg5[%get3A_47, %get3A_48] : memref<16x128xf32, #tpu.memory_space<vmem>>, vector<1x128xf32>
    %get3A_50 = vector.shape_cast %get3A_49 : vector<1x128xf32> to vector<128xf32>
    %broadcast_in_dim3A_51 = vector.shape_cast %get3A_50 : vector<128xf32> to vector<1x128xf32>
    %broadcast_in_dim3A_52 = vector.shape_cast %eq3A_46 : vector<32x1xi1> to vector<32x1xi1>
    %broadcast_in_dim3A_53 = vector.broadcast %broadcast_in_dim3A_52 : vector<32x1xi1> to vector<32x128xi1>
    %broadcast_in_dim3A_54 = vector.shape_cast %broadcast_in_dim3A_51 : vector<1x128xf32> to vector<1x128xf32>
    %broadcast_in_dim3A_55 = vector.broadcast %broadcast_in_dim3A_54 : vector<1x128xf32> to vector<32x128xf32>
    %select_n3A_56 = arith.select %broadcast_in_dim3A_53, %broadcast_in_dim3A_55, %select_n3A : vector<32x128xi1>, vector<32x128xf32>
    %broadcast_in_dim3A_57 = vector.shape_cast %get3A_28 : vector<32xi32> to vector<32x1xi32>
    %eq3A_58 = arith.constant 2 : i32
    %eq3A_59 = vector.broadcast %eq3A_58 : i32 to vector<32x1xi32>
    %eq3A_60 = arith.cmpi eq, %broadcast_in_dim3A_57, %eq3A_59 : vector<32x1xi32>
    %get3A_61 = arith.constant 2 : index
    %get3A_62 = arith.constant 0 : index
    %get3A_63 = vector.load %arg5[%get3A_61, %get3A_62] : memref<16x128xf32, #tpu.memory_space<vmem>>, vector<1x128xf32>
    %get3A_64 = vector.shape_cast %get3A_63 : vector<1x128xf32> to vector<128xf32>
    %broadcast_in_dim3A_65 = vector.shape_cast %get3A_64 : vector<128xf32> to vector<1x128xf32>
    %broadcast_in_dim3A_66 = vector.shape_cast %eq3A_60 : vector<32x1xi1> to vector<32x1xi1>
    %broadcast_in_dim3A_67 = vector.broadcast %broadcast_in_dim3A_66 : vector<32x1xi1> to vector<32x128xi1>
    %broadcast_in_dim3A_68 = vector.shape_cast %broadcast_in_dim3A_65 : vector<1x128xf32> to vector<1x128xf32>
    %broadcast_in_dim3A_69 = vector.broadcast %broadcast_in_dim3A_68 : vector<1x128xf32> to vector<32x128xf32>
    %select_n3A_70 = arith.select %broadcast_in_dim3A_67, %broadcast_in_dim3A_69, %select_n3A_56 : vector<32x128xi1>, vector<32x128xf32>
    %broadcast_in_dim3A_71 = vector.shape_cast %get3A_28 : vector<32xi32> to vector<32x1xi32>
    %eq3A_72 = arith.constant 3 : i32
    %eq3A_73 = vector.broadcast %eq3A_72 : i32 to vector<32x1xi32>
    %eq3A_74 = arith.cmpi eq, %broadcast_in_dim3A_71, %eq3A_73 : vector<32x1xi32>
    %get3A_75 = arith.constant 3 : index
    %get3A_76 = arith.constant 0 : index
    %get3A_77 = vector.load %arg5[%get3A_75, %get3A_76] : memref<16x128xf32, #tpu.memory_space<vmem>>, vector<1x128xf32>
    %get3A_78 = vector.shape_cast %get3A_77 : vector<1x128xf32> to vector<128xf32>
    %broadcast_in_dim3A_79 = vector.shape_cast %get3A_78 : vector<128xf32> to vector<1x128xf32>
    %broadcast_in_dim3A_80 = vector.shape_cast %eq3A_74 : vector<32x1xi1> to vector<32x1xi1>
    %broadcast_in_dim3A_81 = vector.broadcast %broadcast_in_dim3A_80 : vector<32x1xi1> to vector<32x128xi1>
    %broadcast_in_dim3A_82 = vector.shape_cast %broadcast_in_dim3A_79 : vector<1x128xf32> to vector<1x128xf32>
    %broadcast_in_dim3A_83 = vector.broadcast %broadcast_in_dim3A_82 : vector<1x128xf32> to vector<32x128xf32>
    %select_n3A_84 = arith.select %broadcast_in_dim3A_81, %broadcast_in_dim3A_83, %select_n3A_70 : vector<32x128xi1>, vector<32x128xf32>
    %broadcast_in_dim3A_85 = vector.shape_cast %get3A_28 : vector<32xi32> to vector<32x1xi32>
    %eq3A_86 = arith.constant 4 : i32
    %eq3A_87 = vector.broadcast %eq3A_86 : i32 to vector<32x1xi32>
    %eq3A_88 = arith.cmpi eq, %broadcast_in_dim3A_85, %eq3A_87 : vector<32x1xi32>
    %get3A_89 = arith.constant 4 : index
    %get3A_90 = arith.constant 0 : index
    %get3A_91 = vector.load %arg5[%get3A_89, %get3A_90] : memref<16x128xf32, #tpu.memory_space<vmem>>, vector<1x128xf32>
    %get3A_92 = vector.shape_cast %get3A_91 : vector<1x128xf32> to vector<128xf32>
    %broadcast_in_dim3A_93 = vector.shape_cast %get3A_92 : vector<128xf32> to vector<1x128xf32>
    %broadcast_in_dim3A_94 = vector.shape_cast %eq3A_88 : vector<32x1xi1> to vector<32x1xi1>
    %broadcast_in_dim3A_95 = vector.broadcast %broadcast_in_dim3A_94 : vector<32x1xi1> to vector<32x128xi1>
    %broadcast_in_dim3A_96 = vector.shape_cast %broadcast_in_dim3A_93 : vector<1x128xf32> to vector<1x128xf32>
    %broadcast_in_dim3A_97 = vector.broadcast %broadcast_in_dim3A_96 : vector<1x128xf32> to vector<32x128xf32>
    %select_n3A_98 = arith.select %broadcast_in_dim3A_95, %broadcast_in_dim3A_97, %select_n3A_84 : vector<32x128xi1>, vector<32x128xf32>
    %broadcast_in_dim3A_99 = vector.shape_cast %get3A_28 : vector<32xi32> to vector<32x1xi32>
    %eq3A_100 = arith.constant 5 : i32
    %eq3A_101 = vector.broadcast %eq3A_100 : i32 to vector<32x1xi32>
    %eq3A_102 = arith.cmpi eq, %broadcast_in_dim3A_99, %eq3A_101 : vector<32x1xi32>
    %get3A_103 = arith.constant 5 : index
    %get3A_104 = arith.constant 0 : index
    %get3A_105 = vector.load %arg5[%get3A_103, %get3A_104] : memref<16x128xf32, #tpu.memory_space<vmem>>, vector<1x128xf32>
    %get3A_106 = vector.shape_cast %get3A_105 : vector<1x128xf32> to vector<128xf32>
    %broadcast_in_dim3A_107 = vector.shape_cast %get3A_106 : vector<128xf32> to vector<1x128xf32>
    %broadcast_in_dim3A_108 = vector.shape_cast %eq3A_102 : vector<32x1xi1> to vector<32x1xi1>
    %broadcast_in_dim3A_109 = vector.broadcast %broadcast_in_dim3A_108 : vector<32x1xi1> to vector<32x128xi1>
    %broadcast_in_dim3A_110 = vector.shape_cast %broadcast_in_dim3A_107 : vector<1x128xf32> to vector<1x128xf32>
    %broadcast_in_dim3A_111 = vector.broadcast %broadcast_in_dim3A_110 : vector<1x128xf32> to vector<32x128xf32>
    %select_n3A_112 = arith.select %broadcast_in_dim3A_109, %broadcast_in_dim3A_111, %select_n3A_98 : vector<32x128xi1>, vector<32x128xf32>
    %broadcast_in_dim3A_113 = vector.shape_cast %get3A_28 : vector<32xi32> to vector<32x1xi32>
    %eq3A_114 = arith.constant 6 : i32
    %eq3A_115 = vector.broadcast %eq3A_114 : i32 to vector<32x1xi32>
    %eq3A_116 = arith.cmpi eq, %broadcast_in_dim3A_113, %eq3A_115 : vector<32x1xi32>
    %get3A_117 = arith.constant 6 : index
    %get3A_118 = arith.constant 0 : index
    %get3A_119 = vector.load %arg5[%get3A_117, %get3A_118] : memref<16x128xf32, #tpu.memory_space<vmem>>, vector<1x128xf32>
    %get3A_120 = vector.shape_cast %get3A_119 : vector<1x128xf32> to vector<128xf32>
    %broadcast_in_dim3A_121 = vector.shape_cast %get3A_120 : vector<128xf32> to vector<1x128xf32>
    %broadcast_in_dim3A_122 = vector.shape_cast %eq3A_116 : vector<32x1xi1> to vector<32x1xi1>
    %broadcast_in_dim3A_123 = vector.broadcast %broadcast_in_dim3A_122 : vector<32x1xi1> to vector<32x128xi1>
    %broadcast_in_dim3A_124 = vector.shape_cast %broadcast_in_dim3A_121 : vector<1x128xf32> to vector<1x128xf32>
    %broadcast_in_dim3A_125 = vector.broadcast %broadcast_in_dim3A_124 : vector<1x128xf32> to vector<32x128xf32>
    %select_n3A_126 = arith.select %broadcast_in_dim3A_123, %broadcast_in_dim3A_125, %select_n3A_112 : vector<32x128xi1>, vector<32x128xf32>
    %broadcast_in_dim3A_127 = vector.shape_cast %get3A_28 : vector<32xi32> to vector<32x1xi32>
    %eq3A_128 = arith.constant 7 : i32
    %eq3A_129 = vector.broadcast %eq3A_128 : i32 to vector<32x1xi32>
    %eq3A_130 = arith.cmpi eq, %broadcast_in_dim3A_127, %eq3A_129 : vector<32x1xi32>
    %get3A_131 = arith.constant 7 : index
    %get3A_132 = arith.constant 0 : index
    %get3A_133 = vector.load %arg5[%get3A_131, %get3A_132] : memref<16x128xf32, #tpu.memory_space<vmem>>, vector<1x128xf32>
    %get3A_134 = vector.shape_cast %get3A_133 : vector<1x128xf32> to vector<128xf32>
    %broadcast_in_dim3A_135 = vector.shape_cast %get3A_134 : vector<128xf32> to vector<1x128xf32>
    %broadcast_in_dim3A_136 = vector.shape_cast %eq3A_130 : vector<32x1xi1> to vector<32x1xi1>
    %broadcast_in_dim3A_137 = vector.broadcast %broadcast_in_dim3A_136 : vector<32x1xi1> to vector<32x128xi1>
    %broadcast_in_dim3A_138 = vector.shape_cast %broadcast_in_dim3A_135 : vector<1x128xf32> to vector<1x128xf32>
    %broadcast_in_dim3A_139 = vector.broadcast %broadcast_in_dim3A_138 : vector<1x128xf32> to vector<32x128xf32>
    %select_n3A_140 = arith.select %broadcast_in_dim3A_137, %broadcast_in_dim3A_139, %select_n3A_126 : vector<32x128xi1>, vector<32x128xf32>
    %broadcast_in_dim3A_141 = vector.shape_cast %get3A_28 : vector<32xi32> to vector<32x1xi32>
    %eq3A_142 = arith.constant 8 : i32
    %eq3A_143 = vector.broadcast %eq3A_142 : i32 to vector<32x1xi32>
    %eq3A_144 = arith.cmpi eq, %broadcast_in_dim3A_141, %eq3A_143 : vector<32x1xi32>
    %get3A_145 = arith.constant 8 : index
    %get3A_146 = arith.constant 0 : index
    %get3A_147 = vector.load %arg5[%get3A_145, %get3A_146] : memref<16x128xf32, #tpu.memory_space<vmem>>, vector<1x128xf32>
    %get3A_148 = vector.shape_cast %get3A_147 : vector<1x128xf32> to vector<128xf32>
    %broadcast_in_dim3A_149 = vector.shape_cast %get3A_148 : vector<128xf32> to vector<1x128xf32>
    %broadcast_in_dim3A_150 = vector.shape_cast %eq3A_144 : vector<32x1xi1> to vector<32x1xi1>
    %broadcast_in_dim3A_151 = vector.broadcast %broadcast_in_dim3A_150 : vector<32x1xi1> to vector<32x128xi1>
    %broadcast_in_dim3A_152 = vector.shape_cast %broadcast_in_dim3A_149 : vector<1x128xf32> to vector<1x128xf32>
    %broadcast_in_dim3A_153 = vector.broadcast %broadcast_in_dim3A_152 : vector<1x128xf32> to vector<32x128xf32>
    %select_n3A_154 = arith.select %broadcast_in_dim3A_151, %broadcast_in_dim3A_153, %select_n3A_140 : vector<32x128xi1>, vector<32x128xf32>
    %broadcast_in_dim3A_155 = vector.shape_cast %get3A_28 : vector<32xi32> to vector<32x1xi32>
    %eq3A_156 = arith.constant 9 : i32
    %eq3A_157 = vector.broadcast %eq3A_156 : i32 to vector<32x1xi32>
    %eq3A_158 = arith.cmpi eq, %broadcast_in_dim3A_155, %eq3A_157 : vector<32x1xi32>
    %get3A_159 = arith.constant 9 : index
    %get3A_160 = arith.constant 0 : index
    %get3A_161 = vector.load %arg5[%get3A_159, %get3A_160] : memref<16x128xf32, #tpu.memory_space<vmem>>, vector<1x128xf32>
    %get3A_162 = vector.shape_cast %get3A_161 : vector<1x128xf32> to vector<128xf32>
    %broadcast_in_dim3A_163 = vector.shape_cast %get3A_162 : vector<128xf32> to vector<1x128xf32>
    %broadcast_in_dim3A_164 = vector.shape_cast %eq3A_158 : vector<32x1xi1> to vector<32x1xi1>
    %broadcast_in_dim3A_165 = vector.broadcast %broadcast_in_dim3A_164 : vector<32x1xi1> to vector<32x128xi1>
    %broadcast_in_dim3A_166 = vector.shape_cast %broadcast_in_dim3A_163 : vector<1x128xf32> to vector<1x128xf32>
    %broadcast_in_dim3A_167 = vector.broadcast %broadcast_in_dim3A_166 : vector<1x128xf32> to vector<32x128xf32>
    %select_n3A_168 = arith.select %broadcast_in_dim3A_165, %broadcast_in_dim3A_167, %select_n3A_154 : vector<32x128xi1>, vector<32x128xf32>
    %swap3A_169 = arith.constant 0 : index
    %swap3A_170 = arith.constant 0 : index
    %swap3A_171 = arith.constant 0 : index
    %swap3A_172 = arith.constant 1024 : index
    %swap3A_173 = vector.load %arg6[%swap3A_169, %swap3A_170, %swap3A_171, %swap3A_172] : memref<1x8x32x1152xf32, #tpu.memory_space<vmem>>, vector<1x1x32x128xf32>
    %swap3A_174 = vector.shape_cast %swap3A_173 : vector<1x1x32x128xf32> to vector<32x128xf32>
    %swap3A_175 = vector.shape_cast %select_n3A_168 : vector<32x128xf32> to vector<1x1x32x128xf32>
    tpu.vector_store %arg6[%swap3A_169, %swap3A_170, %swap3A_171, %swap3A_172], %swap3A_175 {strides = array<i32>} : memref<1x8x32x1152xf32, #tpu.memory_space<vmem>>, vector<1x1x32x128xf32>,
    %get3A_176 = arith.constant 0 : index
    %get3A_177 = arith.constant 1 : index
    %get3A_178 = arith.constant 0 : index
    %get3A_179 = vector.load %arg2[%get3A_176, %get3A_177, %get3A_178] : memref<1x8x512xf32, #tpu.memory_space<vmem>>, vector<1x1x512xf32>
    %get3A_180 = vector.shape_cast %get3A_179 : vector<1x1x512xf32> to vector<512xf32>
    %broadcast_in_dim3A_181 = vector.shape_cast %get3A_180 : vector<512xf32> to vector<1x512xf32>
    %broadcast_in_dim3A_182 = vector.shape_cast %broadcast_in_dim3A_181 : vector<1x512xf32> to vector<1x512xf32>
    %broadcast_in_dim3A_183 = vector.broadcast %broadcast_in_dim3A_182 : vector<1x512xf32> to vector<32x512xf32>
    %swap3A_184 = arith.constant 0 : index
    %swap3A_185 = arith.constant 1 : index
    %swap3A_186 = arith.constant 0 : index
    %swap3A_187 = arith.constant 0 : index
    %swap3A_188 = vector.load %arg6[%swap3A_184, %swap3A_185, %swap3A_186, %swap3A_187] : memref<1x8x32x1152xf32, #tpu.memory_space<vmem>>, vector<1x1x32x512xf32>
    %swap3A_189 = vector.shape_cast %swap3A_188 : vector<1x1x32x512xf32> to vector<32x512xf32>
    %swap3A_190 = vector.shape_cast %broadcast_in_dim3A_183 : vector<32x512xf32> to vector<1x1x32x512xf32>
    tpu.vector_store %arg6[%swap3A_184, %swap3A_185, %swap3A_186, %swap3A_187], %swap3A_190 {strides = array<i32>} : memref<1x8x32x1152xf32, #tpu.memory_space<vmem>>, vector<1x1x32x512xf32>,
    %swap3A_191 = arith.constant 0 : index
    %swap3A_192 = arith.constant 1 : index
    %swap3A_193 = arith.constant 0 : index
    %swap3A_194 = arith.constant 512 : index
    %swap3A_195 = vector.load %arg6[%swap3A_191, %swap3A_192, %swap3A_193, %swap3A_194] : memref<1x8x32x1152xf32, #tpu.memory_space<vmem>>, vector<1x1x32x512xf32>
    %swap3A_196 = vector.shape_cast %swap3A_195 : vector<1x1x32x512xf32> to vector<32x512xf32>
    %swap3A_197 = vector.shape_cast %get3A_3 : vector<32x512xf32> to vector<1x1x32x512xf32>
    tpu.vector_store %arg6[%swap3A_191, %swap3A_192, %swap3A_193, %swap3A_194], %swap3A_197 {strides = array<i32>} : memref<1x8x32x1152xf32, #tpu.memory_space<vmem>>, vector<1x1x32x512xf32>,
    %get3A_198 = arith.constant 0 : index
    %get3A_199 = arith.constant 1 : index
    %get3A_200 = arith.constant 0 : index
    %get3A_201 = vector.load %arg4[%get3A_198, %get3A_199, %get3A_200] : memref<1x8x32xi32, #tpu.memory_space<vmem>>, vector<1x1x32xi32>
    %get3A_202 = vector.shape_cast %get3A_201 : vector<1x1x32xi32> to vector<32xi32>
    %broadcast_in_dim3A_203 = arith.constant 0.000000e+00 : f32
    %broadcast_in_dim3A_204 = vector.broadcast %broadcast_in_dim3A_203 : f32 to vector<32x128xf32>
    %broadcast_in_dim3A_205 = vector.shape_cast %get3A_202 : vector<32xi32> to vector<32x1xi32>
    %eq3A_206 = arith.constant 0 : i32
    %eq3A_207 = vector.broadcast %eq3A_206 : i32 to vector<32x1xi32>
    %eq3A_208 = arith.cmpi eq, %broadcast_in_dim3A_205, %eq3A_207 : vector<32x1xi32>
    %get3A_209 = arith.constant 0 : index
    %get3A_210 = arith.constant 0 : index
    %get3A_211 = vector.load %arg5[%get3A_209, %get3A_210] : memref<16x128xf32, #tpu.memory_space<vmem>>, vector<1x128xf32>
    %get3A_212 = vector.shape_cast %get3A_211 : vector<1x128xf32> to vector<128xf32>
    %broadcast_in_dim3A_213 = vector.shape_cast %get3A_212 : vector<128xf32> to vector<1x128xf32>
    %broadcast_in_dim3A_214 = vector.shape_cast %eq3A_208 : vector<32x1xi1> to vector<32x1xi1>
    %broadcast_in_dim3A_215 = vector.broadcast %broadcast_in_dim3A_214 : vector<32x1xi1> to vector<32x128xi1>
    %broadcast_in_dim3A_216 = vector.shape_cast %broadcast_in_dim3A_213 : vector<1x128xf32> to vector<1x128xf32>
    %broadcast_in_dim3A_217 = vector.broadcast %broadcast_in_dim3A_216 : vector<1x128xf32> to vector<32x128xf32>
    %select_n3A_218 = arith.select %broadcast_in_dim3A_215, %broadcast_in_dim3A_217, %broadcast_in_dim3A_204 : vector<32x128xi1>, vector<32x128xf32>
    %broadcast_in_dim3A_219 = vector.shape_cast %get3A_202 : vector<32xi32> to vector<32x1xi32>
    %eq3A_220 = arith.constant 1 : i32
    %eq3A_221 = vector.broadcast %eq3A_220 : i32 to vector<32x1xi32>
    %eq3A_222 = arith.cmpi eq, %broadcast_in_dim3A_219, %eq3A_221 : vector<32x1xi32>
    %get3A_223 = arith.constant 1 : index
    %get3A_224 = arith.constant 0 : index
    %get3A_225 = vector.load %arg5[%get3A_223, %get3A_224] : memref<16x128xf32, #tpu.memory_space<vmem>>, vector<1x128xf32>
    %get3A_226 = vector.shape_cast %get3A_225 : vector<1x128xf32> to vector<128xf32>
    %broadcast_in_dim3A_227 = vector.shape_cast %get3A_226 : vector<128xf32> to vector<1x128xf32>
    %broadcast_in_dim3A_228 = vector.shape_cast %eq3A_222 : vector<32x1xi1> to vector<32x1xi1>
    %broadcast_in_dim3A_229 = vector.broadcast %broadcast_in_dim3A_228 : vector<32x1xi1> to vector<32x128xi1>
    %broadcast_in_dim3A_230 = vector.shape_cast %broadcast_in_dim3A_227 : vector<1x128xf32> to vector<1x128xf32>
    %broadcast_in_dim3A_231 = vector.broadcast %broadcast_in_dim3A_230 : vector<1x128xf32> to vector<32x128xf32>
    %select_n3A_232 = arith.select %broadcast_in_dim3A_229, %broadcast_in_dim3A_231, %select_n3A_218 : vector<32x128xi1>, vector<32x128xf32>
    %broadcast_in_dim3A_233 = vector.shape_cast %get3A_202 : vector<32xi32> to vector<32x1xi32>
    %eq3A_234 = arith.constant 2 : i32
    %eq3A_235 = vector.broadcast %eq3A_234 : i32 to vector<32x1xi32>
    %eq3A_236 = arith.cmpi eq, %broadcast_in_dim3A_233, %eq3A_235 : vector<32x1xi32>
    %get3A_237 = arith.constant 2 : index
    %get3A_238 = arith.constant 0 : index
    %get3A_239 = vector.load %arg5[%get3A_237, %get3A_238] : memref<16x128xf32, #tpu.memory_space<vmem>>, vector<1x128xf32>
    %get3A_240 = vector.shape_cast %get3A_239 : vector<1x128xf32> to vector<128xf32>
    %broadcast_in_dim3A_241 = vector.shape_cast %get3A_240 : vector<128xf32> to vector<1x128xf32>
    %broadcast_in_dim3A_242 = vector.shape_cast %eq3A_236 : vector<32x1xi1> to vector<32x1xi1>
    %broadcast_in_dim3A_243 = vector.broadcast %broadcast_in_dim3A_242 : vector<32x1xi1> to vector<32x128xi1>
    %broadcast_in_dim3A_244 = vector.shape_cast %broadcast_in_dim3A_241 : vector<1x128xf32> to vector<1x128xf32>
    %broadcast_in_dim3A_245 = vector.broadcast %broadcast_in_dim3A_244 : vector<1x128xf32> to vector<32x128xf32>
    %select_n3A_246 = arith.select %broadcast_in_dim3A_243, %broadcast_in_dim3A_245, %select_n3A_232 : vector<32x128xi1>, vector<32x128xf32>
    %broadcast_in_dim3A_247 = vector.shape_cast %get3A_202 : vector<32xi32> to vector<32x1xi32>
    %eq3A_248 = arith.constant 3 : i32
    %eq3A_249 = vector.broadcast %eq3A_248 : i32 to vector<32x1xi32>
    %eq3A_250 = arith.cmpi eq, %broadcast_in_dim3A_247, %eq3A_249 : vector<32x1xi32>
    %get3A_251 = arith.constant 3 : index
    %get3A_252 = arith.constant 0 : index
    %get3A_253 = vector.load %arg5[%get3A_251, %get3A_252] : memref<16x128xf32, #tpu.memory_space<vmem>>, vector<1x128xf32>
    %get3A_254 = vector.shape_cast %get3A_253 : vector<1x128xf32> to vector<128xf32>
    %broadcast_in_dim3A_255 = vector.shape_cast %get3A_254 : vector<128xf32> to vector<1x128xf32>
    %broadcast_in_dim3A_256 = vector.shape_cast %eq3A_250 : vector<32x1xi1> to vector<32x1xi1>
    %broadcast_in_dim3A_257 = vector.broadcast %broadcast_in_dim3A_256 : vector<32x1xi1> to vector<32x128xi1>
    %broadcast_in_dim3A_258 = vector.shape_cast %broadcast_in_dim3A_255 : vector<1x128xf32> to vector<1x128xf32>
    %broadcast_in_dim3A_259 = vector.broadcast %broadcast_in_dim3A_258 : vector<1x128xf32> to vector<32x128xf32>
    %select_n3A_260 = arith.select %broadcast_in_dim3A_257, %broadcast_in_dim3A_259, %select_n3A_246 : vector<32x128xi1>, vector<32x128xf32>
    %broadcast_in_dim3A_261 = vector.shape_cast %get3A_202 : vector<32xi32> to vector<32x1xi32>
    %eq3A_262 = arith.constant 4 : i32
    %eq3A_263 = vector.broadcast %eq3A_262 : i32 to vector<32x1xi32>
    %eq3A_264 = arith.cmpi eq, %broadcast_in_dim3A_261, %eq3A_263 : vector<32x1xi32>
    %get3A_265 = arith.constant 4 : index
    %get3A_266 = arith.constant 0 : index
    %get3A_267 = vector.load %arg5[%get3A_265, %get3A_266] : memref<16x128xf32, #tpu.memory_space<vmem>>, vector<1x128xf32>
    %get3A_268 = vector.shape_cast %get3A_267 : vector<1x128xf32> to vector<128xf32>
    %broadcast_in_dim3A_269 = vector.shape_cast %get3A_268 : vector<128xf32> to vector<1x128xf32>
    %broadcast_in_dim3A_270 = vector.shape_cast %eq3A_264 : vector<32x1xi1> to vector<32x1xi1>
    %broadcast_in_dim3A_271 = vector.broadcast %broadcast_in_dim3A_270 : vector<32x1xi1> to vector<32x128xi1>
    %broadcast_in_dim3A_272 = vector.shape_cast %broadcast_in_dim3A_269 : vector<1x128xf32> to vector<1x128xf32>
    %broadcast_in_dim3A_273 = vector.broadcast %broadcast_in_dim3A_272 : vector<1x128xf32> to vector<32x128xf32>
    %select_n3A_274 = arith.select %broadcast_in_dim3A_271, %broadcast_in_dim3A_273, %select_n3A_260 : vector<32x128xi1>, vector<32x128xf32>
    %broadcast_in_dim3A_275 = vector.shape_cast %get3A_202 : vector<32xi32> to vector<32x1xi32>
    %eq3A_276 = arith.constant 5 : i32
    %eq3A_277 = vector.broadcast %eq3A_276 : i32 to vector<32x1xi32>
    %eq3A_278 = arith.cmpi eq, %broadcast_in_dim3A_275, %eq3A_277 : vector<32x1xi32>
    %get3A_279 = arith.constant 5 : index
    %get3A_280 = arith.constant 0 : index
    %get3A_281 = vector.load %arg5[%get3A_279, %get3A_280] : memref<16x128xf32, #tpu.memory_space<vmem>>, vector<1x128xf32>
    %get3A_282 = vector.shape_cast %get3A_281 : vector<1x128xf32> to vector<128xf32>
    %broadcast_in_dim3A_283 = vector.shape_cast %get3A_282 : vector<128xf32> to vector<1x128xf32>
    %broadcast_in_dim3A_284 = vector.shape_cast %eq3A_278 : vector<32x1xi1> to vector<32x1xi1>
    %broadcast_in_dim3A_285 = vector.broadcast %broadcast_in_dim3A_284 : vector<32x1xi1> to vector<32x128xi1>
    %broadcast_in_dim3A_286 = vector.shape_cast %broadcast_in_dim3A_283 : vector<1x128xf32> to vector<1x128xf32>
    %broadcast_in_dim3A_287 = vector.broadcast %broadcast_in_dim3A_286 : vector<1x128xf32> to vector<32x128xf32>
    %select_n3A_288 = arith.select %broadcast_in_dim3A_285, %broadcast_in_dim3A_287, %select_n3A_274 : vector<32x128xi1>, vector<32x128xf32>
    %broadcast_in_dim3A_289 = vector.shape_cast %get3A_202 : vector<32xi32> to vector<32x1xi32>
    %eq3A_290 = arith.constant 6 : i32
    %eq3A_291 = vector.broadcast %eq3A_290 : i32 to vector<32x1xi32>
    %eq3A_292 = arith.cmpi eq, %broadcast_in_dim3A_289, %eq3A_291 : vector<32x1xi32>
    %get3A_293 = arith.constant 6 : index
    %get3A_294 = arith.constant 0 : index
    %get3A_295 = vector.load %arg5[%get3A_293, %get3A_294] : memref<16x128xf32, #tpu.memory_space<vmem>>, vector<1x128xf32>
    %get3A_296 = vector.shape_cast %get3A_295 : vector<1x128xf32> to vector<128xf32>
    %broadcast_in_dim3A_297 = vector.shape_cast %get3A_296 : vector<128xf32> to vector<1x128xf32>
    %broadcast_in_dim3A_298 = vector.shape_cast %eq3A_292 : vector<32x1xi1> to vector<32x1xi1>
    %broadcast_in_dim3A_299 = vector.broadcast %broadcast_in_dim3A_298 : vector<32x1xi1> to vector<32x128xi1>
    %broadcast_in_dim3A_300 = vector.shape_cast %broadcast_in_dim3A_297 : vector<1x128xf32> to vector<1x128xf32>
    %broadcast_in_dim3A_301 = vector.broadcast %broadcast_in_dim3A_300 : vector<1x128xf32> to vector<32x128xf32>
    %select_n3A_302 = arith.select %broadcast_in_dim3A_299, %broadcast_in_dim3A_301, %select_n3A_288 : vector<32x128xi1>, vector<32x128xf32>
    %broadcast_in_dim3A_303 = vector.shape_cast %get3A_202 : vector<32xi32> to vector<32x1xi32>
    %eq3A_304 = arith.constant 7 : i32
    %eq3A_305 = vector.broadcast %eq3A_304 : i32 to vector<32x1xi32>
    %eq3A_306 = arith.cmpi eq, %broadcast_in_dim3A_303, %eq3A_305 : vector<32x1xi32>
    %get3A_307 = arith.constant 7 : index
    %get3A_308 = arith.constant 0 : index
    %get3A_309 = vector.load %arg5[%get3A_307, %get3A_308] : memref<16x128xf32, #tpu.memory_space<vmem>>, vector<1x128xf32>
    %get3A_310 = vector.shape_cast %get3A_309 : vector<1x128xf32> to vector<128xf32>
    %broadcast_in_dim3A_311 = vector.shape_cast %get3A_310 : vector<128xf32> to vector<1x128xf32>
    %broadcast_in_dim3A_312 = vector.shape_cast %eq3A_306 : vector<32x1xi1> to vector<32x1xi1>
    %broadcast_in_dim3A_313 = vector.broadcast %broadcast_in_dim3A_312 : vector<32x1xi1> to vector<32x128xi1>
    %broadcast_in_dim3A_314 = vector.shape_cast %broadcast_in_dim3A_311 : vector<1x128xf32> to vector<1x128xf32>
    %broadcast_in_dim3A_315 = vector.broadcast %broadcast_in_dim3A_314 : vector<1x128xf32> to vector<32x128xf32>
    %select_n3A_316 = arith.select %broadcast_in_dim3A_313, %broadcast_in_dim3A_315, %select_n3A_302 : vector<32x128xi1>, vector<32x128xf32>
    %broadcast_in_dim3A_317 = vector.shape_cast %get3A_202 : vector<32xi32> to vector<32x1xi32>
    %eq3A_318 = arith.constant 8 : i32
    %eq3A_319 = vector.broadcast %eq3A_318 : i32 to vector<32x1xi32>
    %eq3A_320 = arith.cmpi eq, %broadcast_in_dim3A_317, %eq3A_319 : vector<32x1xi32>
    %get3A_321 = arith.constant 8 : index
    %get3A_322 = arith.constant 0 : index
    %get3A_323 = vector.load %arg5[%get3A_321, %get3A_322] : memref<16x128xf32, #tpu.memory_space<vmem>>, vector<1x128xf32>
    %get3A_324 = vector.shape_cast %get3A_323 : vector<1x128xf32> to vector<128xf32>
    %broadcast_in_dim3A_325 = vector.shape_cast %get3A_324 : vector<128xf32> to vector<1x128xf32>
    %broadcast_in_dim3A_326 = vector.shape_cast %eq3A_320 : vector<32x1xi1> to vector<32x1xi1>
    %broadcast_in_dim3A_327 = vector.broadcast %broadcast_in_dim3A_326 : vector<32x1xi1> to vector<32x128xi1>
    %broadcast_in_dim3A_328 = vector.shape_cast %broadcast_in_dim3A_325 : vector<1x128xf32> to vector<1x128xf32>
    %broadcast_in_dim3A_329 = vector.broadcast %broadcast_in_dim3A_328 : vector<1x128xf32> to vector<32x128xf32>
    %select_n3A_330 = arith.select %broadcast_in_dim3A_327, %broadcast_in_dim3A_329, %select_n3A_316 : vector<32x128xi1>, vector<32x128xf32>
    %broadcast_in_dim3A_331 = vector.shape_cast %get3A_202 : vector<32xi32> to vector<32x1xi32>
    %eq3A_332 = arith.constant 9 : i32
    %eq3A_333 = vector.broadcast %eq3A_332 : i32 to vector<32x1xi32>
    %eq3A_334 = arith.cmpi eq, %broadcast_in_dim3A_331, %eq3A_333 : vector<32x1xi32>
    %get3A_335 = arith.constant 9 : index
    %get3A_336 = arith.constant 0 : index
    %get3A_337 = vector.load %arg5[%get3A_335, %get3A_336] : memref<16x128xf32, #tpu.memory_space<vmem>>, vector<1x128xf32>
    %get3A_338 = vector.shape_cast %get3A_337 : vector<1x128xf32> to vector<128xf32>
    %broadcast_in_dim3A_339 = vector.shape_cast %get3A_338 : vector<128xf32> to vector<1x128xf32>
    %broadcast_in_dim3A_340 = vector.shape_cast %eq3A_334 : vector<32x1xi1> to vector<32x1xi1>
    %broadcast_in_dim3A_341 = vector.broadcast %broadcast_in_dim3A_340 : vector<32x1xi1> to vector<32x128xi1>
    %broadcast_in_dim3A_342 = vector.shape_cast %broadcast_in_dim3A_339 : vector<1x128xf32> to vector<1x128xf32>
    %broadcast_in_dim3A_343 = vector.broadcast %broadcast_in_dim3A_342 : vector<1x128xf32> to vector<32x128xf32>
    %select_n3A_344 = arith.select %broadcast_in_dim3A_341, %broadcast_in_dim3A_343, %select_n3A_330 : vector<32x128xi1>, vector<32x128xf32>
    %swap3A_345 = arith.constant 0 : index
    %swap3A_346 = arith.constant 1 : index
    %swap3A_347 = arith.constant 0 : index
    %swap3A_348 = arith.constant 1024 : index
    %swap3A_349 = vector.load %arg6[%swap3A_345, %swap3A_346, %swap3A_347, %swap3A_348] : memref<1x8x32x1152xf32, #tpu.memory_space<vmem>>, vector<1x1x32x128xf32>
    %swap3A_350 = vector.shape_cast %swap3A_349 : vector<1x1x32x128xf32> to vector<32x128xf32>
    %swap3A_351 = vector.shape_cast %select_n3A_344 : vector<32x128xf32> to vector<1x1x32x128xf32>
    tpu.vector_store %arg6[%swap3A_345, %swap3A_346, %swap3A_347, %swap3A_348], %swap3A_351 {strides = array<i32>} : memref<1x8x32x1152xf32, #tpu.memory_space<vmem>>, vector<1x1x32x128xf32>,
    %get3A_352 = arith.constant 0 : index
    %get3A_353 = arith.constant 2 : index
    %get3A_354 = arith.constant 0 : index
    %get3A_355 = vector.load %arg2[%get3A_352, %get3A_353, %get3A_354] : memref<1x8x512xf32, #tpu.memory_space<vmem>>, vector<1x1x512xf32>
    %get3A_356 = vector.shape_cast %get3A_355 : vector<1x1x512xf32> to vector<512xf32>
    %broadcast_in_dim3A_357 = vector.shape_cast %get3A_356 : vector<512xf32> to vector<1x512xf32>
    %broadcast_in_dim3A_358 = vector.shape_cast %broadcast_in_dim3A_357 : vector<1x512xf32> to vector<1x512xf32>
    %broadcast_in_dim3A_359 = vector.broadcast %broadcast_in_dim3A_358 : vector<1x512xf32> to vector<32x512xf32>
    %swap3A_360 = arith.constant 0 : index
    %swap3A_361 = arith.constant 2 : index
    %swap3A_362 = arith.constant 0 : index
    %swap3A_363 = arith.constant 0 : index
    %swap3A_364 = vector.load %arg6[%swap3A_360, %swap3A_361, %swap3A_362, %swap3A_363] : memref<1x8x32x1152xf32, #tpu.memory_space<vmem>>, vector<1x1x32x512xf32>
    %swap3A_365 = vector.shape_cast %swap3A_364 : vector<1x1x32x512xf32> to vector<32x512xf32>
    %swap3A_366 = vector.shape_cast %broadcast_in_dim3A_359 : vector<32x512xf32> to vector<1x1x32x512xf32>
    tpu.vector_store %arg6[%swap3A_360, %swap3A_361, %swap3A_362, %swap3A_363], %swap3A_366 {strides = array<i32>} : memref<1x8x32x1152xf32, #tpu.memory_space<vmem>>, vector<1x1x32x512xf32>,
    %swap3A_367 = arith.constant 0 : index
    %swap3A_368 = arith.constant 2 : index
    %swap3A_369 = arith.constant 0 : index
    %swap3A_370 = arith.constant 512 : index
    %swap3A_371 = vector.load %arg6[%swap3A_367, %swap3A_368, %swap3A_369, %swap3A_370] : memref<1x8x32x1152xf32, #tpu.memory_space<vmem>>, vector<1x1x32x512xf32>
    %swap3A_372 = vector.shape_cast %swap3A_371 : vector<1x1x32x512xf32> to vector<32x512xf32>
    %swap3A_373 = vector.shape_cast %get3A_3 : vector<32x512xf32> to vector<1x1x32x512xf32>
    tpu.vector_store %arg6[%swap3A_367, %swap3A_368, %swap3A_369, %swap3A_370], %swap3A_373 {strides = array<i32>} : memref<1x8x32x1152xf32, #tpu.memory_space<vmem>>, vector<1x1x32x512xf32>,
    %get3A_374 = arith.constant 0 : index
    %get3A_375 = arith.constant 2 : index
    %get3A_376 = arith.constant 0 : index
    %get3A_377 = vector.load %arg4[%get3A_374, %get3A_375, %get3A_376] : memref<1x8x32xi32, #tpu.memory_space<vmem>>, vector<1x1x32xi32>
    %get3A_378 = vector.shape_cast %get3A_377 : vector<1x1x32xi32> to vector<32xi32>
    %broadcast_in_dim3A_379 = arith.constant 0.000000e+00 : f32
    %broadcast_in_dim3A_380 = vector.broadcast %broadcast_in_dim3A_379 : f32 to vector<32x128xf32>
    %broadcast_in_dim3A_381 = vector.shape_cast %get3A_378 : vector<32xi32> to vector<32x1xi32>
    %eq3A_382 = arith.constant 0 : i32
    %eq3A_383 = vector.broadcast %eq3A_382 : i32 to vector<32x1xi32>
    %eq3A_384 = arith.cmpi eq, %broadcast_in_dim3A_381, %eq3A_383 : vector<32x1xi32>
    %get3A_385 = arith.constant 0 : index
    %get3A_386 = arith.constant 0 : index
    %get3A_387 = vector.load %arg5[%get3A_385, %get3A_386] : memref<16x128xf32, #tpu.memory_space<vmem>>, vector<1x128xf32>
    %get3A_388 = vector.shape_cast %get3A_387 : vector<1x128xf32> to vector<128xf32>
    %broadcast_in_dim3A_389 = vector.shape_cast %get3A_388 : vector<128xf32> to vector<1x128xf32>
    %broadcast_in_dim3A_390 = vector.shape_cast %eq3A_384 : vector<32x1xi1> to vector<32x1xi1>
    %broadcast_in_dim3A_391 = vector.broadcast %broadcast_in_dim3A_390 : vector<32x1xi1> to vector<32x128xi1>
    %broadcast_in_dim3A_392 = vector.shape_cast %broadcast_in_dim3A_389 : vector<1x128xf32> to vector<1x128xf32>
    %broadcast_in_dim3A_393 = vector.broadcast %broadcast_in_dim3A_392 : vector<1x128xf32> to vector<32x128xf32>
    %select_n3A_394 = arith.select %broadcast_in_dim3A_391, %broadcast_in_dim3A_393, %broadcast_in_dim3A_380 : vector<32x128xi1>, vector<32x128xf32>
    %broadcast_in_dim3A_395 = vector.shape_cast %get3A_378 : vector<32xi32> to vector<32x1xi32>
    %eq3A_396 = arith.constant 1 : i32
    %eq3A_397 = vector.broadcast %eq3A_396 : i32 to vector<32x1xi32>
    %eq3A_398 = arith.cmpi eq, %broadcast_in_dim3A_395, %eq3A_397 : vector<32x1xi32>
    %get3A_399 = arith.constant 1 : index
    %get3A_400 = arith.constant 0 : index
    %get3A_401 = vector.load %arg5[%get3A_399, %get3A_400] : memref<16x128xf32, #tpu.memory_space<vmem>>, vector<1x128xf32>
    %get3A_402 = vector.shape_cast %get3A_401 : vector<1x128xf32> to vector<128xf32>
    %broadcast_in_dim3A_403 = vector.shape_cast %get3A_402 : vector<128xf32> to vector<1x128xf32>
    %broadcast_in_dim3A_404 = vector.shape_cast %eq3A_398 : vector<32x1xi1> to vector<32x1xi1>
    %broadcast_in_dim3A_405 = vector.broadcast %broadcast_in_dim3A_404 : vector<32x1xi1> to vector<32x128xi1>
    %broadcast_in_dim3A_406 = vector.shape_cast %broadcast_in_dim3A_403 : vector<1x128xf32> to vector<1x128xf32>
    %broadcast_in_dim3A_407 = vector.broadcast %broadcast_in_dim3A_406 : vector<1x128xf32> to vector<32x128xf32>
    %select_n3A_408 = arith.select %broadcast_in_dim3A_405, %broadcast_in_dim3A_407, %select_n3A_394 : vector<32x128xi1>, vector<32x128xf32>
    %broadcast_in_dim3A_409 = vector.shape_cast %get3A_378 : vector<32xi32> to vector<32x1xi32>
    %eq3A_410 = arith.constant 2 : i32
    %eq3A_411 = vector.broadcast %eq3A_410 : i32 to vector<32x1xi32>
    %eq3A_412 = arith.cmpi eq, %broadcast_in_dim3A_409, %eq3A_411 : vector<32x1xi32>
    %get3A_413 = arith.constant 2 : index
    %get3A_414 = arith.constant 0 : index
    %get3A_415 = vector.load %arg5[%get3A_413, %get3A_414] : memref<16x128xf32, #tpu.memory_space<vmem>>, vector<1x128xf32>
    %get3A_416 = vector.shape_cast %get3A_415 : vector<1x128xf32> to vector<128xf32>
    %broadcast_in_dim3A_417 = vector.shape_cast %get3A_416 : vector<128xf32> to vector<1x128xf32>
    %broadcast_in_dim3A_418 = vector.shape_cast %eq3A_412 : vector<32x1xi1> to vector<32x1xi1>
    %broadcast_in_dim3A_419 = vector.broadcast %broadcast_in_dim3A_418 : vector<32x1xi1> to vector<32x128xi1>
    %broadcast_in_dim3A_420 = vector.shape_cast %broadcast_in_dim3A_417 : vector<1x128xf32> to vector<1x128xf32>
    %broadcast_in_dim3A_421 = vector.broadcast %broadcast_in_dim3A_420 : vector<1x128xf32> to vector<32x128xf32>
    %select_n3A_422 = arith.select %broadcast_in_dim3A_419, %broadcast_in_dim3A_421, %select_n3A_408 : vector<32x128xi1>, vector<32x128xf32>
    %broadcast_in_dim3A_423 = vector.shape_cast %get3A_378 : vector<32xi32> to vector<32x1xi32>
    %eq3A_424 = arith.constant 3 : i32
    %eq3A_425 = vector.broadcast %eq3A_424 : i32 to vector<32x1xi32>
    %eq3A_426 = arith.cmpi eq, %broadcast_in_dim3A_423, %eq3A_425 : vector<32x1xi32>
    %get3A_427 = arith.constant 3 : index
    %get3A_428 = arith.constant 0 : index
    %get3A_429 = vector.load %arg5[%get3A_427, %get3A_428] : memref<16x128xf32, #tpu.memory_space<vmem>>, vector<1x128xf32>
    %get3A_430 = vector.shape_cast %get3A_429 : vector<1x128xf32> to vector<128xf32>
    %broadcast_in_dim3A_431 = vector.shape_cast %get3A_430 : vector<128xf32> to vector<1x128xf32>
    %broadcast_in_dim3A_432 = vector.shape_cast %eq3A_426 : vector<32x1xi1> to vector<32x1xi1>
    %broadcast_in_dim3A_433 = vector.broadcast %broadcast_in_dim3A_432 : vector<32x1xi1> to vector<32x128xi1>
    %broadcast_in_dim3A_434 = vector.shape_cast %broadcast_in_dim3A_431 : vector<1x128xf32> to vector<1x128xf32>
    %broadcast_in_dim3A_435 = vector.broadcast %broadcast_in_dim3A_434 : vector<1x128xf32> to vector<32x128xf32>
    %select_n3A_436 = arith.select %broadcast_in_dim3A_433, %broadcast_in_dim3A_435, %select_n3A_422 : vector<32x128xi1>, vector<32x128xf32>
    %broadcast_in_dim3A_437 = vector.shape_cast %get3A_378 : vector<32xi32> to vector<32x1xi32>
    %eq3A_438 = arith.constant 4 : i32
    %eq3A_439 = vector.broadcast %eq3A_438 : i32 to vector<32x1xi32>
    %eq3A_440 = arith.cmpi eq, %broadcast_in_dim3A_437, %eq3A_439 : vector<32x1xi32>
    %get3A_441 = arith.constant 4 : index
    %get3A_442 = arith.constant 0 : index
    %get3A_443 = vector.load %arg5[%get3A_441, %get3A_442] : memref<16x128xf32, #tpu.memory_space<vmem>>, vector<1x128xf32>
    %get3A_444 = vector.shape_cast %get3A_443 : vector<1x128xf32> to vector<128xf32>
    %broadcast_in_dim3A_445 = vector.shape_cast %get3A_444 : vector<128xf32> to vector<1x128xf32>
    %broadcast_in_dim3A_446 = vector.shape_cast %eq3A_440 : vector<32x1xi1> to vector<32x1xi1>
    %broadcast_in_dim3A_447 = vector.broadcast %broadcast_in_dim3A_446 : vector<32x1xi1> to vector<32x128xi1>
    %broadcast_in_dim3A_448 = vector.shape_cast %broadcast_in_dim3A_445 : vector<1x128xf32> to vector<1x128xf32>
    %broadcast_in_dim3A_449 = vector.broadcast %broadcast_in_dim3A_448 : vector<1x128xf32> to vector<32x128xf32>
    %select_n3A_450 = arith.select %broadcast_in_dim3A_447, %broadcast_in_dim3A_449, %select_n3A_436 : vector<32x128xi1>, vector<32x128xf32>
    %broadcast_in_dim3A_451 = vector.shape_cast %get3A_378 : vector<32xi32> to vector<32x1xi32>
    %eq3A_452 = arith.constant 5 : i32
    %eq3A_453 = vector.broadcast %eq3A_452 : i32 to vector<32x1xi32>
    %eq3A_454 = arith.cmpi eq, %broadcast_in_dim3A_451, %eq3A_453 : vector<32x1xi32>
    %get3A_455 = arith.constant 5 : index
    %get3A_456 = arith.constant 0 : index
    %get3A_457 = vector.load %arg5[%get3A_455, %get3A_456] : memref<16x128xf32, #tpu.memory_space<vmem>>, vector<1x128xf32>
    %get3A_458 = vector.shape_cast %get3A_457 : vector<1x128xf32> to vector<128xf32>
    %broadcast_in_dim3A_459 = vector.shape_cast %get3A_458 : vector<128xf32> to vector<1x128xf32>
    %broadcast_in_dim3A_460 = vector.shape_cast %eq3A_454 : vector<32x1xi1> to vector<32x1xi1>
    %broadcast_in_dim3A_461 = vector.broadcast %broadcast_in_dim3A_460 : vector<32x1xi1> to vector<32x128xi1>
    %broadcast_in_dim3A_462 = vector.shape_cast %broadcast_in_dim3A_459 : vector<1x128xf32> to vector<1x128xf32>
    %broadcast_in_dim3A_463 = vector.broadcast %broadcast_in_dim3A_462 : vector<1x128xf32> to vector<32x128xf32>
    %select_n3A_464 = arith.select %broadcast_in_dim3A_461, %broadcast_in_dim3A_463, %select_n3A_450 : vector<32x128xi1>, vector<32x128xf32>
    %broadcast_in_dim3A_465 = vector.shape_cast %get3A_378 : vector<32xi32> to vector<32x1xi32>
    %eq3A_466 = arith.constant 6 : i32
    %eq3A_467 = vector.broadcast %eq3A_466 : i32 to vector<32x1xi32>
    %eq3A_468 = arith.cmpi eq, %broadcast_in_dim3A_465, %eq3A_467 : vector<32x1xi32>
    %get3A_469 = arith.constant 6 : index
    %get3A_470 = arith.constant 0 : index
    %get3A_471 = vector.load %arg5[%get3A_469, %get3A_470] : memref<16x128xf32, #tpu.memory_space<vmem>>, vector<1x128xf32>
    %get3A_472 = vector.shape_cast %get3A_471 : vector<1x128xf32> to vector<128xf32>
    %broadcast_in_dim3A_473 = vector.shape_cast %get3A_472 : vector<128xf32> to vector<1x128xf32>
    %broadcast_in_dim3A_474 = vector.shape_cast %eq3A_468 : vector<32x1xi1> to vector<32x1xi1>
    %broadcast_in_dim3A_475 = vector.broadcast %broadcast_in_dim3A_474 : vector<32x1xi1> to vector<32x128xi1>
    %broadcast_in_dim3A_476 = vector.shape_cast %broadcast_in_dim3A_473 : vector<1x128xf32> to vector<1x128xf32>
    %broadcast_in_dim3A_477 = vector.broadcast %broadcast_in_dim3A_476 : vector<1x128xf32> to vector<32x128xf32>
    %select_n3A_478 = arith.select %broadcast_in_dim3A_475, %broadcast_in_dim3A_477, %select_n3A_464 : vector<32x128xi1>, vector<32x128xf32>
    %broadcast_in_dim3A_479 = vector.shape_cast %get3A_378 : vector<32xi32> to vector<32x1xi32>
    %eq3A_480 = arith.constant 7 : i32
    %eq3A_481 = vector.broadcast %eq3A_480 : i32 to vector<32x1xi32>
    %eq3A_482 = arith.cmpi eq, %broadcast_in_dim3A_479, %eq3A_481 : vector<32x1xi32>
    %get3A_483 = arith.constant 7 : index
    %get3A_484 = arith.constant 0 : index
    %get3A_485 = vector.load %arg5[%get3A_483, %get3A_484] : memref<16x128xf32, #tpu.memory_space<vmem>>, vector<1x128xf32>
    %get3A_486 = vector.shape_cast %get3A_485 : vector<1x128xf32> to vector<128xf32>
    %broadcast_in_dim3A_487 = vector.shape_cast %get3A_486 : vector<128xf32> to vector<1x128xf32>
    %broadcast_in_dim3A_488 = vector.shape_cast %eq3A_482 : vector<32x1xi1> to vector<32x1xi1>
    %broadcast_in_dim3A_489 = vector.broadcast %broadcast_in_dim3A_488 : vector<32x1xi1> to vector<32x128xi1>
    %broadcast_in_dim3A_490 = vector.shape_cast %broadcast_in_dim3A_487 : vector<1x128xf32> to vector<1x128xf32>
    %broadcast_in_dim3A_491 = vector.broadcast %broadcast_in_dim3A_490 : vector<1x128xf32> to vector<32x128xf32>
    %select_n3A_492 = arith.select %broadcast_in_dim3A_489, %broadcast_in_dim3A_491, %select_n3A_478 : vector<32x128xi1>, vector<32x128xf32>
    %broadcast_in_dim3A_493 = vector.shape_cast %get3A_378 : vector<32xi32> to vector<32x1xi32>
    %eq3A_494 = arith.constant 8 : i32
    %eq3A_495 = vector.broadcast %eq3A_494 : i32 to vector<32x1xi32>
    %eq3A_496 = arith.cmpi eq, %broadcast_in_dim3A_493, %eq3A_495 : vector<32x1xi32>
    %get3A_497 = arith.constant 8 : index
    %get3A_498 = arith.constant 0 : index
    %get3A_499 = vector.load %arg5[%get3A_497, %get3A_498] : memref<16x128xf32, #tpu.memory_space<vmem>>, vector<1x128xf32>
    %get3A_500 = vector.shape_cast %get3A_499 : vector<1x128xf32> to vector<128xf32>
    %broadcast_in_dim3A_501 = vector.shape_cast %get3A_500 : vector<128xf32> to vector<1x128xf32>
    %broadcast_in_dim3A_502 = vector.shape_cast %eq3A_496 : vector<32x1xi1> to vector<32x1xi1>
    %broadcast_in_dim3A_503 = vector.broadcast %broadcast_in_dim3A_502 : vector<32x1xi1> to vector<32x128xi1>
    %broadcast_in_dim3A_504 = vector.shape_cast %broadcast_in_dim3A_501 : vector<1x128xf32> to vector<1x128xf32>
    %broadcast_in_dim3A_505 = vector.broadcast %broadcast_in_dim3A_504 : vector<1x128xf32> to vector<32x128xf32>
    %select_n3A_506 = arith.select %broadcast_in_dim3A_503, %broadcast_in_dim3A_505, %select_n3A_492 : vector<32x128xi1>, vector<32x128xf32>
    %broadcast_in_dim3A_507 = vector.shape_cast %get3A_378 : vector<32xi32> to vector<32x1xi32>
    %eq3A_508 = arith.constant 9 : i32
    %eq3A_509 = vector.broadcast %eq3A_508 : i32 to vector<32x1xi32>
    %eq3A_510 = arith.cmpi eq, %broadcast_in_dim3A_507, %eq3A_509 : vector<32x1xi32>
    %get3A_511 = arith.constant 9 : index
    %get3A_512 = arith.constant 0 : index
    %get3A_513 = vector.load %arg5[%get3A_511, %get3A_512] : memref<16x128xf32, #tpu.memory_space<vmem>>, vector<1x128xf32>
    %get3A_514 = vector.shape_cast %get3A_513 : vector<1x128xf32> to vector<128xf32>
    %broadcast_in_dim3A_515 = vector.shape_cast %get3A_514 : vector<128xf32> to vector<1x128xf32>
    %broadcast_in_dim3A_516 = vector.shape_cast %eq3A_510 : vector<32x1xi1> to vector<32x1xi1>
    %broadcast_in_dim3A_517 = vector.broadcast %broadcast_in_dim3A_516 : vector<32x1xi1> to vector<32x128xi1>
    %broadcast_in_dim3A_518 = vector.shape_cast %broadcast_in_dim3A_515 : vector<1x128xf32> to vector<1x128xf32>
    %broadcast_in_dim3A_519 = vector.broadcast %broadcast_in_dim3A_518 : vector<1x128xf32> to vector<32x128xf32>
    %select_n3A_520 = arith.select %broadcast_in_dim3A_517, %broadcast_in_dim3A_519, %select_n3A_506 : vector<32x128xi1>, vector<32x128xf32>
    %swap3A_521 = arith.constant 0 : index
    %swap3A_522 = arith.constant 2 : index
    %swap3A_523 = arith.constant 0 : index
    %swap3A_524 = arith.constant 1024 : index
    %swap3A_525 = vector.load %arg6[%swap3A_521, %swap3A_522, %swap3A_523, %swap3A_524] : memref<1x8x32x1152xf32, #tpu.memory_space<vmem>>, vector<1x1x32x128xf32>
    %swap3A_526 = vector.shape_cast %swap3A_525 : vector<1x1x32x128xf32> to vector<32x128xf32>
    %swap3A_527 = vector.shape_cast %select_n3A_520 : vector<32x128xf32> to vector<1x1x32x128xf32>
    tpu.vector_store %arg6[%swap3A_521, %swap3A_522, %swap3A_523, %swap3A_524], %swap3A_527 {strides = array<i32>} : memref<1x8x32x1152xf32, #tpu.memory_space<vmem>>, vector<1x1x32x128xf32>,
    %get3A_528 = arith.constant 0 : index
    %get3A_529 = arith.constant 3 : index
    %get3A_530 = arith.constant 0 : index
    %get3A_531 = vector.load %arg2[%get3A_528, %get3A_529, %get3A_530] : memref<1x8x512xf32, #tpu.memory_space<vmem>>, vector<1x1x512xf32>
    %get3A_532 = vector.shape_cast %get3A_531 : vector<1x1x512xf32> to vector<512xf32>
    %broadcast_in_dim3A_533 = vector.shape_cast %get3A_532 : vector<512xf32> to vector<1x512xf32>
    %broadcast_in_dim3A_534 = vector.shape_cast %broadcast_in_dim3A_533 : vector<1x512xf32> to vector<1x512xf32>
    %broadcast_in_dim3A_535 = vector.broadcast %broadcast_in_dim3A_534 : vector<1x512xf32> to vector<32x512xf32>
    %swap3A_536 = arith.constant 0 : index
    %swap3A_537 = arith.constant 3 : index
    %swap3A_538 = arith.constant 0 : index
    %swap3A_539 = arith.constant 0 : index
    %swap3A_540 = vector.load %arg6[%swap3A_536, %swap3A_537, %swap3A_538, %swap3A_539] : memref<1x8x32x1152xf32, #tpu.memory_space<vmem>>, vector<1x1x32x512xf32>
    %swap3A_541 = vector.shape_cast %swap3A_540 : vector<1x1x32x512xf32> to vector<32x512xf32>
    %swap3A_542 = vector.shape_cast %broadcast_in_dim3A_535 : vector<32x512xf32> to vector<1x1x32x512xf32>
    tpu.vector_store %arg6[%swap3A_536, %swap3A_537, %swap3A_538, %swap3A_539], %swap3A_542 {strides = array<i32>} : memref<1x8x32x1152xf32, #tpu.memory_space<vmem>>, vector<1x1x32x512xf32>,
    %swap3A_543 = arith.constant 0 : index
    %swap3A_544 = arith.constant 3 : index
    %swap3A_545 = arith.constant 0 : index
    %swap3A_546 = arith.constant 512 : index
    %swap3A_547 = vector.load %arg6[%swap3A_543, %swap3A_544, %swap3A_545, %swap3A_546] : memref<1x8x32x1152xf32, #tpu.memory_space<vmem>>, vector<1x1x32x512xf32>
    %swap3A_548 = vector.shape_cast %swap3A_547 : vector<1x1x32x512xf32> to vector<32x512xf32>
    %swap3A_549 = vector.shape_cast %get3A_3 : vector<32x512xf32> to vector<1x1x32x512xf32>
    tpu.vector_store %arg6[%swap3A_543, %swap3A_544, %swap3A_545, %swap3A_546], %swap3A_549 {strides = array<i32>} : memref<1x8x32x1152xf32, #tpu.memory_space<vmem>>, vector<1x1x32x512xf32>,
    %get3A_550 = arith.constant 0 : index
    %get3A_551 = arith.constant 3 : index
    %get3A_552 = arith.constant 0 : index
    %get3A_553 = vector.load %arg4[%get3A_550, %get3A_551, %get3A_552] : memref<1x8x32xi32, #tpu.memory_space<vmem>>, vector<1x1x32xi32>
    %get3A_554 = vector.shape_cast %get3A_553 : vector<1x1x32xi32> to vector<32xi32>
    %broadcast_in_dim3A_555 = arith.constant 0.000000e+00 : f32
    %broadcast_in_dim3A_556 = vector.broadcast %broadcast_in_dim3A_555 : f32 to vector<32x128xf32>
    %broadcast_in_dim3A_557 = vector.shape_cast %get3A_554 : vector<32xi32> to vector<32x1xi32>
    %eq3A_558 = arith.constant 0 : i32
    %eq3A_559 = vector.broadcast %eq3A_558 : i32 to vector<32x1xi32>
    %eq3A_560 = arith.cmpi eq, %broadcast_in_dim3A_557, %eq3A_559 : vector<32x1xi32>
    %get3A_561 = arith.constant 0 : index
    %get3A_562 = arith.constant 0 : index
    %get3A_563 = vector.load %arg5[%get3A_561, %get3A_562] : memref<16x128xf32, #tpu.memory_space<vmem>>, vector<1x128xf32>
    %get3A_564 = vector.shape_cast %get3A_563 : vector<1x128xf32> to vector<128xf32>
    %broadcast_in_dim3A_565 = vector.shape_cast %get3A_564 : vector<128xf32> to vector<1x128xf32>
    %broadcast_in_dim3A_566 = vector.shape_cast %eq3A_560 : vector<32x1xi1> to vector<32x1xi1>
    %broadcast_in_dim3A_567 = vector.broadcast %broadcast_in_dim3A_566 : vector<32x1xi1> to vector<32x128xi1>
    %broadcast_in_dim3A_568 = vector.shape_cast %broadcast_in_dim3A_565 : vector<1x128xf32> to vector<1x128xf32>
    %broadcast_in_dim3A_569 = vector.broadcast %broadcast_in_dim3A_568 : vector<1x128xf32> to vector<32x128xf32>
    %select_n3A_570 = arith.select %broadcast_in_dim3A_567, %broadcast_in_dim3A_569, %broadcast_in_dim3A_556 : vector<32x128xi1>, vector<32x128xf32>
    %broadcast_in_dim3A_571 = vector.shape_cast %get3A_554 : vector<32xi32> to vector<32x1xi32>
    %eq3A_572 = arith.constant 1 : i32
    %eq3A_573 = vector.broadcast %eq3A_572 : i32 to vector<32x1xi32>
    %eq3A_574 = arith.cmpi eq, %broadcast_in_dim3A_571, %eq3A_573 : vector<32x1xi32>
    %get3A_575 = arith.constant 1 : index
    %get3A_576 = arith.constant 0 : index
    %get3A_577 = vector.load %arg5[%get3A_575, %get3A_576] : memref<16x128xf32, #tpu.memory_space<vmem>>, vector<1x128xf32>
    %get3A_578 = vector.shape_cast %get3A_577 : vector<1x128xf32> to vector<128xf32>
    %broadcast_in_dim3A_579 = vector.shape_cast %get3A_578 : vector<128xf32> to vector<1x128xf32>
    %broadcast_in_dim3A_580 = vector.shape_cast %eq3A_574 : vector<32x1xi1> to vector<32x1xi1>
    %broadcast_in_dim3A_581 = vector.broadcast %broadcast_in_dim3A_580 : vector<32x1xi1> to vector<32x128xi1>
    %broadcast_in_dim3A_582 = vector.shape_cast %broadcast_in_dim3A_579 : vector<1x128xf32> to vector<1x128xf32>
    %broadcast_in_dim3A_583 = vector.broadcast %broadcast_in_dim3A_582 : vector<1x128xf32> to vector<32x128xf32>
    %select_n3A_584 = arith.select %broadcast_in_dim3A_581, %broadcast_in_dim3A_583, %select_n3A_570 : vector<32x128xi1>, vector<32x128xf32>
    %broadcast_in_dim3A_585 = vector.shape_cast %get3A_554 : vector<32xi32> to vector<32x1xi32>
    %eq3A_586 = arith.constant 2 : i32
    %eq3A_587 = vector.broadcast %eq3A_586 : i32 to vector<32x1xi32>
    %eq3A_588 = arith.cmpi eq, %broadcast_in_dim3A_585, %eq3A_587 : vector<32x1xi32>
    %get3A_589 = arith.constant 2 : index
    %get3A_590 = arith.constant 0 : index
    %get3A_591 = vector.load %arg5[%get3A_589, %get3A_590] : memref<16x128xf32, #tpu.memory_space<vmem>>, vector<1x128xf32>
    %get3A_592 = vector.shape_cast %get3A_591 : vector<1x128xf32> to vector<128xf32>
    %broadcast_in_dim3A_593 = vector.shape_cast %get3A_592 : vector<128xf32> to vector<1x128xf32>
    %broadcast_in_dim3A_594 = vector.shape_cast %eq3A_588 : vector<32x1xi1> to vector<32x1xi1>
    %broadcast_in_dim3A_595 = vector.broadcast %broadcast_in_dim3A_594 : vector<32x1xi1> to vector<32x128xi1>
    %broadcast_in_dim3A_596 = vector.shape_cast %broadcast_in_dim3A_593 : vector<1x128xf32> to vector<1x128xf32>
    %broadcast_in_dim3A_597 = vector.broadcast %broadcast_in_dim3A_596 : vector<1x128xf32> to vector<32x128xf32>
    %select_n3A_598 = arith.select %broadcast_in_dim3A_595, %broadcast_in_dim3A_597, %select_n3A_584 : vector<32x128xi1>, vector<32x128xf32>
    %broadcast_in_dim3A_599 = vector.shape_cast %get3A_554 : vector<32xi32> to vector<32x1xi32>
    %eq3A_600 = arith.constant 3 : i32
    %eq3A_601 = vector.broadcast %eq3A_600 : i32 to vector<32x1xi32>
    %eq3A_602 = arith.cmpi eq, %broadcast_in_dim3A_599, %eq3A_601 : vector<32x1xi32>
    %get3A_603 = arith.constant 3 : index
    %get3A_604 = arith.constant 0 : index
    %get3A_605 = vector.load %arg5[%get3A_603, %get3A_604] : memref<16x128xf32, #tpu.memory_space<vmem>>, vector<1x128xf32>
    %get3A_606 = vector.shape_cast %get3A_605 : vector<1x128xf32> to vector<128xf32>
    %broadcast_in_dim3A_607 = vector.shape_cast %get3A_606 : vector<128xf32> to vector<1x128xf32>
    %broadcast_in_dim3A_608 = vector.shape_cast %eq3A_602 : vector<32x1xi1> to vector<32x1xi1>
    %broadcast_in_dim3A_609 = vector.broadcast %broadcast_in_dim3A_608 : vector<32x1xi1> to vector<32x128xi1>
    %broadcast_in_dim3A_610 = vector.shape_cast %broadcast_in_dim3A_607 : vector<1x128xf32> to vector<1x128xf32>
    %broadcast_in_dim3A_611 = vector.broadcast %broadcast_in_dim3A_610 : vector<1x128xf32> to vector<32x128xf32>
    %select_n3A_612 = arith.select %broadcast_in_dim3A_609, %broadcast_in_dim3A_611, %select_n3A_598 : vector<32x128xi1>, vector<32x128xf32>
    %broadcast_in_dim3A_613 = vector.shape_cast %get3A_554 : vector<32xi32> to vector<32x1xi32>
    %eq3A_614 = arith.constant 4 : i32
    %eq3A_615 = vector.broadcast %eq3A_614 : i32 to vector<32x1xi32>
    %eq3A_616 = arith.cmpi eq, %broadcast_in_dim3A_613, %eq3A_615 : vector<32x1xi32>
    %get3A_617 = arith.constant 4 : index
    %get3A_618 = arith.constant 0 : index
    %get3A_619 = vector.load %arg5[%get3A_617, %get3A_618] : memref<16x128xf32, #tpu.memory_space<vmem>>, vector<1x128xf32>
    %get3A_620 = vector.shape_cast %get3A_619 : vector<1x128xf32> to vector<128xf32>
    %broadcast_in_dim3A_621 = vector.shape_cast %get3A_620 : vector<128xf32> to vector<1x128xf32>
    %broadcast_in_dim3A_622 = vector.shape_cast %eq3A_616 : vector<32x1xi1> to vector<32x1xi1>
    %broadcast_in_dim3A_623 = vector.broadcast %broadcast_in_dim3A_622 : vector<32x1xi1> to vector<32x128xi1>
    %broadcast_in_dim3A_624 = vector.shape_cast %broadcast_in_dim3A_621 : vector<1x128xf32> to vector<1x128xf32>
    %broadcast_in_dim3A_625 = vector.broadcast %broadcast_in_dim3A_624 : vector<1x128xf32> to vector<32x128xf32>
    %select_n3A_626 = arith.select %broadcast_in_dim3A_623, %broadcast_in_dim3A_625, %select_n3A_612 : vector<32x128xi1>, vector<32x128xf32>
    %broadcast_in_dim3A_627 = vector.shape_cast %get3A_554 : vector<32xi32> to vector<32x1xi32>
    %eq3A_628 = arith.constant 5 : i32
    %eq3A_629 = vector.broadcast %eq3A_628 : i32 to vector<32x1xi32>
    %eq3A_630 = arith.cmpi eq, %broadcast_in_dim3A_627, %eq3A_629 : vector<32x1xi32>
    %get3A_631 = arith.constant 5 : index
    %get3A_632 = arith.constant 0 : index
    %get3A_633 = vector.load %arg5[%get3A_631, %get3A_632] : memref<16x128xf32, #tpu.memory_space<vmem>>, vector<1x128xf32>
    %get3A_634 = vector.shape_cast %get3A_633 : vector<1x128xf32> to vector<128xf32>
    %broadcast_in_dim3A_635 = vector.shape_cast %get3A_634 : vector<128xf32> to vector<1x128xf32>
    %broadcast_in_dim3A_636 = vector.shape_cast %eq3A_630 : vector<32x1xi1> to vector<32x1xi1>
    %broadcast_in_dim3A_637 = vector.broadcast %broadcast_in_dim3A_636 : vector<32x1xi1> to vector<32x128xi1>
    %broadcast_in_dim3A_638 = vector.shape_cast %broadcast_in_dim3A_635 : vector<1x128xf32> to vector<1x128xf32>
    %broadcast_in_dim3A_639 = vector.broadcast %broadcast_in_dim3A_638 : vector<1x128xf32> to vector<32x128xf32>
    %select_n3A_640 = arith.select %broadcast_in_dim3A_637, %broadcast_in_dim3A_639, %select_n3A_626 : vector<32x128xi1>, vector<32x128xf32>
    %broadcast_in_dim3A_641 = vector.shape_cast %get3A_554 : vector<32xi32> to vector<32x1xi32>
    %eq3A_642 = arith.constant 6 : i32
    %eq3A_643 = vector.broadcast %eq3A_642 : i32 to vector<32x1xi32>
    %eq3A_644 = arith.cmpi eq, %broadcast_in_dim3A_641, %eq3A_643 : vector<32x1xi32>
    %get3A_645 = arith.constant 6 : index
    %get3A_646 = arith.constant 0 : index
    %get3A_647 = vector.load %arg5[%get3A_645, %get3A_646] : memref<16x128xf32, #tpu.memory_space<vmem>>, vector<1x128xf32>
    %get3A_648 = vector.shape_cast %get3A_647 : vector<1x128xf32> to vector<128xf32>
    %broadcast_in_dim3A_649 = vector.shape_cast %get3A_648 : vector<128xf32> to vector<1x128xf32>
    %broadcast_in_dim3A_650 = vector.shape_cast %eq3A_644 : vector<32x1xi1> to vector<32x1xi1>
    %broadcast_in_dim3A_651 = vector.broadcast %broadcast_in_dim3A_650 : vector<32x1xi1> to vector<32x128xi1>
    %broadcast_in_dim3A_652 = vector.shape_cast %broadcast_in_dim3A_649 : vector<1x128xf32> to vector<1x128xf32>
    %broadcast_in_dim3A_653 = vector.broadcast %broadcast_in_dim3A_652 : vector<1x128xf32> to vector<32x128xf32>
    %select_n3A_654 = arith.select %broadcast_in_dim3A_651, %broadcast_in_dim3A_653, %select_n3A_640 : vector<32x128xi1>, vector<32x128xf32>
    %broadcast_in_dim3A_655 = vector.shape_cast %get3A_554 : vector<32xi32> to vector<32x1xi32>
    %eq3A_656 = arith.constant 7 : i32
    %eq3A_657 = vector.broadcast %eq3A_656 : i32 to vector<32x1xi32>
    %eq3A_658 = arith.cmpi eq, %broadcast_in_dim3A_655, %eq3A_657 : vector<32x1xi32>
    %get3A_659 = arith.constant 7 : index
    %get3A_660 = arith.constant 0 : index
    %get3A_661 = vector.load %arg5[%get3A_659, %get3A_660] : memref<16x128xf32, #tpu.memory_space<vmem>>, vector<1x128xf32>
    %get3A_662 = vector.shape_cast %get3A_661 : vector<1x128xf32> to vector<128xf32>
    %broadcast_in_dim3A_663 = vector.shape_cast %get3A_662 : vector<128xf32> to vector<1x128xf32>
    %broadcast_in_dim3A_664 = vector.shape_cast %eq3A_658 : vector<32x1xi1> to vector<32x1xi1>
    %broadcast_in_dim3A_665 = vector.broadcast %broadcast_in_dim3A_664 : vector<32x1xi1> to vector<32x128xi1>
    %broadcast_in_dim3A_666 = vector.shape_cast %broadcast_in_dim3A_663 : vector<1x128xf32> to vector<1x128xf32>
    %broadcast_in_dim3A_667 = vector.broadcast %broadcast_in_dim3A_666 : vector<1x128xf32> to vector<32x128xf32>
    %select_n3A_668 = arith.select %broadcast_in_dim3A_665, %broadcast_in_dim3A_667, %select_n3A_654 : vector<32x128xi1>, vector<32x128xf32>
    %broadcast_in_dim3A_669 = vector.shape_cast %get3A_554 : vector<32xi32> to vector<32x1xi32>
    %eq3A_670 = arith.constant 8 : i32
    %eq3A_671 = vector.broadcast %eq3A_670 : i32 to vector<32x1xi32>
    %eq3A_672 = arith.cmpi eq, %broadcast_in_dim3A_669, %eq3A_671 : vector<32x1xi32>
    %get3A_673 = arith.constant 8 : index
    %get3A_674 = arith.constant 0 : index
    %get3A_675 = vector.load %arg5[%get3A_673, %get3A_674] : memref<16x128xf32, #tpu.memory_space<vmem>>, vector<1x128xf32>
    %get3A_676 = vector.shape_cast %get3A_675 : vector<1x128xf32> to vector<128xf32>
    %broadcast_in_dim3A_677 = vector.shape_cast %get3A_676 : vector<128xf32> to vector<1x128xf32>
    %broadcast_in_dim3A_678 = vector.shape_cast %eq3A_672 : vector<32x1xi1> to vector<32x1xi1>
    %broadcast_in_dim3A_679 = vector.broadcast %broadcast_in_dim3A_678 : vector<32x1xi1> to vector<32x128xi1>
    %broadcast_in_dim3A_680 = vector.shape_cast %broadcast_in_dim3A_677 : vector<1x128xf32> to vector<1x128xf32>
    %broadcast_in_dim3A_681 = vector.broadcast %broadcast_in_dim3A_680 : vector<1x128xf32> to vector<32x128xf32>
    %select_n3A_682 = arith.select %broadcast_in_dim3A_679, %broadcast_in_dim3A_681, %select_n3A_668 : vector<32x128xi1>, vector<32x128xf32>
    %broadcast_in_dim3A_683 = vector.shape_cast %get3A_554 : vector<32xi32> to vector<32x1xi32>
    %eq3A_684 = arith.constant 9 : i32
    %eq3A_685 = vector.broadcast %eq3A_684 : i32 to vector<32x1xi32>
    %eq3A_686 = arith.cmpi eq, %broadcast_in_dim3A_683, %eq3A_685 : vector<32x1xi32>
    %get3A_687 = arith.constant 9 : index
    %get3A_688 = arith.constant 0 : index
    %get3A_689 = vector.load %arg5[%get3A_687, %get3A_688] : memref<16x128xf32, #tpu.memory_space<vmem>>, vector<1x128xf32>
    %get3A_690 = vector.shape_cast %get3A_689 : vector<1x128xf32> to vector<128xf32>
    %broadcast_in_dim3A_691 = vector.shape_cast %get3A_690 : vector<128xf32> to vector<1x128xf32>
    %broadcast_in_dim3A_692 = vector.shape_cast %eq3A_686 : vector<32x1xi1> to vector<32x1xi1>
    %broadcast_in_dim3A_693 = vector.broadcast %broadcast_in_dim3A_692 : vector<32x1xi1> to vector<32x128xi1>
    %broadcast_in_dim3A_694 = vector.shape_cast %broadcast_in_dim3A_691 : vector<1x128xf32> to vector<1x128xf32>
    %broadcast_in_dim3A_695 = vector.broadcast %broadcast_in_dim3A_694 : vector<1x128xf32> to vector<32x128xf32>
    %select_n3A_696 = arith.select %broadcast_in_dim3A_693, %broadcast_in_dim3A_695, %select_n3A_682 : vector<32x128xi1>, vector<32x128xf32>
    %swap3A_697 = arith.constant 0 : index
    %swap3A_698 = arith.constant 3 : index
    %swap3A_699 = arith.constant 0 : index
    %swap3A_700 = arith.constant 1024 : index
    %swap3A_701 = vector.load %arg6[%swap3A_697, %swap3A_698, %swap3A_699, %swap3A_700] : memref<1x8x32x1152xf32, #tpu.memory_space<vmem>>, vector<1x1x32x128xf32>
    %swap3A_702 = vector.shape_cast %swap3A_701 : vector<1x1x32x128xf32> to vector<32x128xf32>
    %swap3A_703 = vector.shape_cast %select_n3A_696 : vector<32x128xf32> to vector<1x1x32x128xf32>
    tpu.vector_store %arg6[%swap3A_697, %swap3A_698, %swap3A_699, %swap3A_700], %swap3A_703 {strides = array<i32>} : memref<1x8x32x1152xf32, #tpu.memory_space<vmem>>, vector<1x1x32x128xf32>,
    %get3A_704 = arith.constant 0 : index
    %get3A_705 = arith.constant 4 : index
    %get3A_706 = arith.constant 0 : index
    %get3A_707 = vector.load %arg2[%get3A_704, %get3A_705, %get3A_706] : memref<1x8x512xf32, #tpu.memory_space<vmem>>, vector<1x1x512xf32>
    %get3A_708 = vector.shape_cast %get3A_707 : vector<1x1x512xf32> to vector<512xf32>
    %broadcast_in_dim3A_709 = vector.shape_cast %get3A_708 : vector<512xf32> to vector<1x512xf32>
    %broadcast_in_dim3A_710 = vector.shape_cast %broadcast_in_dim3A_709 : vector<1x512xf32> to vector<1x512xf32>
    %broadcast_in_dim3A_711 = vector.broadcast %broadcast_in_dim3A_710 : vector<1x512xf32> to vector<32x512xf32>
    %swap3A_712 = arith.constant 0 : index
    %swap3A_713 = arith.constant 4 : index
    %swap3A_714 = arith.constant 0 : index
    %swap3A_715 = arith.constant 0 : index
    %swap3A_716 = vector.load %arg6[%swap3A_712, %swap3A_713, %swap3A_714, %swap3A_715] : memref<1x8x32x1152xf32, #tpu.memory_space<vmem>>, vector<1x1x32x512xf32>
    %swap3A_717 = vector.shape_cast %swap3A_716 : vector<1x1x32x512xf32> to vector<32x512xf32>
    %swap3A_718 = vector.shape_cast %broadcast_in_dim3A_711 : vector<32x512xf32> to vector<1x1x32x512xf32>
    tpu.vector_store %arg6[%swap3A_712, %swap3A_713, %swap3A_714, %swap3A_715], %swap3A_718 {strides = array<i32>} : memref<1x8x32x1152xf32, #tpu.memory_space<vmem>>, vector<1x1x32x512xf32>,
    %swap3A_719 = arith.constant 0 : index
    %swap3A_720 = arith.constant 4 : index
    %swap3A_721 = arith.constant 0 : index
    %swap3A_722 = arith.constant 512 : index
    %swap3A_723 = vector.load %arg6[%swap3A_719, %swap3A_720, %swap3A_721, %swap3A_722] : memref<1x8x32x1152xf32, #tpu.memory_space<vmem>>, vector<1x1x32x512xf32>
    %swap3A_724 = vector.shape_cast %swap3A_723 : vector<1x1x32x512xf32> to vector<32x512xf32>
    %swap3A_725 = vector.shape_cast %get3A_3 : vector<32x512xf32> to vector<1x1x32x512xf32>
    tpu.vector_store %arg6[%swap3A_719, %swap3A_720, %swap3A_721, %swap3A_722], %swap3A_725 {strides = array<i32>} : memref<1x8x32x1152xf32, #tpu.memory_space<vmem>>, vector<1x1x32x512xf32>,
    %get3A_726 = arith.constant 0 : index
    %get3A_727 = arith.constant 4 : index
    %get3A_728 = arith.constant 0 : index
    %get3A_729 = vector.load %arg4[%get3A_726, %get3A_727, %get3A_728] : memref<1x8x32xi32, #tpu.memory_space<vmem>>, vector<1x1x32xi32>
    %get3A_730 = vector.shape_cast %get3A_729 : vector<1x1x32xi32> to vector<32xi32>
    %broadcast_in_dim3A_731 = arith.constant 0.000000e+00 : f32
    %broadcast_in_dim3A_732 = vector.broadcast %broadcast_in_dim3A_731 : f32 to vector<32x128xf32>
    %broadcast_in_dim3A_733 = vector.shape_cast %get3A_730 : vector<32xi32> to vector<32x1xi32>
    %eq3A_734 = arith.constant 0 : i32
    %eq3A_735 = vector.broadcast %eq3A_734 : i32 to vector<32x1xi32>
    %eq3A_736 = arith.cmpi eq, %broadcast_in_dim3A_733, %eq3A_735 : vector<32x1xi32>
    %get3A_737 = arith.constant 0 : index
    %get3A_738 = arith.constant 0 : index
    %get3A_739 = vector.load %arg5[%get3A_737, %get3A_738] : memref<16x128xf32, #tpu.memory_space<vmem>>, vector<1x128xf32>
    %get3A_740 = vector.shape_cast %get3A_739 : vector<1x128xf32> to vector<128xf32>
    %broadcast_in_dim3A_741 = vector.shape_cast %get3A_740 : vector<128xf32> to vector<1x128xf32>
    %broadcast_in_dim3A_742 = vector.shape_cast %eq3A_736 : vector<32x1xi1> to vector<32x1xi1>
    %broadcast_in_dim3A_743 = vector.broadcast %broadcast_in_dim3A_742 : vector<32x1xi1> to vector<32x128xi1>
    %broadcast_in_dim3A_744 = vector.shape_cast %broadcast_in_dim3A_741 : vector<1x128xf32> to vector<1x128xf32>
    %broadcast_in_dim3A_745 = vector.broadcast %broadcast_in_dim3A_744 : vector<1x128xf32> to vector<32x128xf32>
    %select_n3A_746 = arith.select %broadcast_in_dim3A_743, %broadcast_in_dim3A_745, %broadcast_in_dim3A_732 : vector<32x128xi1>, vector<32x128xf32>
    %broadcast_in_dim3A_747 = vector.shape_cast %get3A_730 : vector<32xi32> to vector<32x1xi32>
    %eq3A_748 = arith.constant 1 : i32
    %eq3A_749 = vector.broadcast %eq3A_748 : i32 to vector<32x1xi32>
    %eq3A_750 = arith.cmpi eq, %broadcast_in_dim3A_747, %eq3A_749 : vector<32x1xi32>
    %get3A_751 = arith.constant 1 : index
    %get3A_752 = arith.constant 0 : index
    %get3A_753 = vector.load %arg5[%get3A_751, %get3A_752] : memref<16x128xf32, #tpu.memory_space<vmem>>, vector<1x128xf32>
    %get3A_754 = vector.shape_cast %get3A_753 : vector<1x128xf32> to vector<128xf32>
    %broadcast_in_dim3A_755 = vector.shape_cast %get3A_754 : vector<128xf32> to vector<1x128xf32>
    %broadcast_in_dim3A_756 = vector.shape_cast %eq3A_750 : vector<32x1xi1> to vector<32x1xi1>
    %broadcast_in_dim3A_757 = vector.broadcast %broadcast_in_dim3A_756 : vector<32x1xi1> to vector<32x128xi1>
    %broadcast_in_dim3A_758 = vector.shape_cast %broadcast_in_dim3A_755 : vector<1x128xf32> to vector<1x128xf32>
    %broadcast_in_dim3A_759 = vector.broadcast %broadcast_in_dim3A_758 : vector<1x128xf32> to vector<32x128xf32>
    %select_n3A_760 = arith.select %broadcast_in_dim3A_757, %broadcast_in_dim3A_759, %select_n3A_746 : vector<32x128xi1>, vector<32x128xf32>
    %broadcast_in_dim3A_761 = vector.shape_cast %get3A_730 : vector<32xi32> to vector<32x1xi32>
    %eq3A_762 = arith.constant 2 : i32
    %eq3A_763 = vector.broadcast %eq3A_762 : i32 to vector<32x1xi32>
    %eq3A_764 = arith.cmpi eq, %broadcast_in_dim3A_761, %eq3A_763 : vector<32x1xi32>
    %get3A_765 = arith.constant 2 : index
    %get3A_766 = arith.constant 0 : index
    %get3A_767 = vector.load %arg5[%get3A_765, %get3A_766] : memref<16x128xf32, #tpu.memory_space<vmem>>, vector<1x128xf32>
    %get3A_768 = vector.shape_cast %get3A_767 : vector<1x128xf32> to vector<128xf32>
    %broadcast_in_dim3A_769 = vector.shape_cast %get3A_768 : vector<128xf32> to vector<1x128xf32>
    %broadcast_in_dim3A_770 = vector.shape_cast %eq3A_764 : vector<32x1xi1> to vector<32x1xi1>
    %broadcast_in_dim3A_771 = vector.broadcast %broadcast_in_dim3A_770 : vector<32x1xi1> to vector<32x128xi1>
    %broadcast_in_dim3A_772 = vector.shape_cast %broadcast_in_dim3A_769 : vector<1x128xf32> to vector<1x128xf32>
    %broadcast_in_dim3A_773 = vector.broadcast %broadcast_in_dim3A_772 : vector<1x128xf32> to vector<32x128xf32>
    %select_n3A_774 = arith.select %broadcast_in_dim3A_771, %broadcast_in_dim3A_773, %select_n3A_760 : vector<32x128xi1>, vector<32x128xf32>
    %broadcast_in_dim3A_775 = vector.shape_cast %get3A_730 : vector<32xi32> to vector<32x1xi32>
    %eq3A_776 = arith.constant 3 : i32
    %eq3A_777 = vector.broadcast %eq3A_776 : i32 to vector<32x1xi32>
    %eq3A_778 = arith.cmpi eq, %broadcast_in_dim3A_775, %eq3A_777 : vector<32x1xi32>
    %get3A_779 = arith.constant 3 : index
    %get3A_780 = arith.constant 0 : index
    %get3A_781 = vector.load %arg5[%get3A_779, %get3A_780] : memref<16x128xf32, #tpu.memory_space<vmem>>, vector<1x128xf32>
    %get3A_782 = vector.shape_cast %get3A_781 : vector<1x128xf32> to vector<128xf32>
    %broadcast_in_dim3A_783 = vector.shape_cast %get3A_782 : vector<128xf32> to vector<1x128xf32>
    %broadcast_in_dim3A_784 = vector.shape_cast %eq3A_778 : vector<32x1xi1> to vector<32x1xi1>
    %broadcast_in_dim3A_785 = vector.broadcast %broadcast_in_dim3A_784 : vector<32x1xi1> to vector<32x128xi1>
    %broadcast_in_dim3A_786 = vector.shape_cast %broadcast_in_dim3A_783 : vector<1x128xf32> to vector<1x128xf32>
    %broadcast_in_dim3A_787 = vector.broadcast %broadcast_in_dim3A_786 : vector<1x128xf32> to vector<32x128xf32>
    %select_n3A_788 = arith.select %broadcast_in_dim3A_785, %broadcast_in_dim3A_787, %select_n3A_774 : vector<32x128xi1>, vector<32x128xf32>
    %broadcast_in_dim3A_789 = vector.shape_cast %get3A_730 : vector<32xi32> to vector<32x1xi32>
    %eq3A_790 = arith.constant 4 : i32
    %eq3A_791 = vector.broadcast %eq3A_790 : i32 to vector<32x1xi32>
    %eq3A_792 = arith.cmpi eq, %broadcast_in_dim3A_789, %eq3A_791 : vector<32x1xi32>
    %get3A_793 = arith.constant 4 : index
    %get3A_794 = arith.constant 0 : index
    %get3A_795 = vector.load %arg5[%get3A_793, %get3A_794] : memref<16x128xf32, #tpu.memory_space<vmem>>, vector<1x128xf32>
    %get3A_796 = vector.shape_cast %get3A_795 : vector<1x128xf32> to vector<128xf32>
    %broadcast_in_dim3A_797 = vector.shape_cast %get3A_796 : vector<128xf32> to vector<1x128xf32>
    %broadcast_in_dim3A_798 = vector.shape_cast %eq3A_792 : vector<32x1xi1> to vector<32x1xi1>
    %broadcast_in_dim3A_799 = vector.broadcast %broadcast_in_dim3A_798 : vector<32x1xi1> to vector<32x128xi1>
    %broadcast_in_dim3A_800 = vector.shape_cast %broadcast_in_dim3A_797 : vector<1x128xf32> to vector<1x128xf32>
    %broadcast_in_dim3A_801 = vector.broadcast %broadcast_in_dim3A_800 : vector<1x128xf32> to vector<32x128xf32>
    %select_n3A_802 = arith.select %broadcast_in_dim3A_799, %broadcast_in_dim3A_801, %select_n3A_788 : vector<32x128xi1>, vector<32x128xf32>
    %broadcast_in_dim3A_803 = vector.shape_cast %get3A_730 : vector<32xi32> to vector<32x1xi32>
    %eq3A_804 = arith.constant 5 : i32
    %eq3A_805 = vector.broadcast %eq3A_804 : i32 to vector<32x1xi32>
    %eq3A_806 = arith.cmpi eq, %broadcast_in_dim3A_803, %eq3A_805 : vector<32x1xi32>
    %get3A_807 = arith.constant 5 : index
    %get3A_808 = arith.constant 0 : index
    %get3A_809 = vector.load %arg5[%get3A_807, %get3A_808] : memref<16x128xf32, #tpu.memory_space<vmem>>, vector<1x128xf32>
    %get3A_810 = vector.shape_cast %get3A_809 : vector<1x128xf32> to vector<128xf32>
    %broadcast_in_dim3A_811 = vector.shape_cast %get3A_810 : vector<128xf32> to vector<1x128xf32>
    %broadcast_in_dim3A_812 = vector.shape_cast %eq3A_806 : vector<32x1xi1> to vector<32x1xi1>
    %broadcast_in_dim3A_813 = vector.broadcast %broadcast_in_dim3A_812 : vector<32x1xi1> to vector<32x128xi1>
    %broadcast_in_dim3A_814 = vector.shape_cast %broadcast_in_dim3A_811 : vector<1x128xf32> to vector<1x128xf32>
    %broadcast_in_dim3A_815 = vector.broadcast %broadcast_in_dim3A_814 : vector<1x128xf32> to vector<32x128xf32>
    %select_n3A_816 = arith.select %broadcast_in_dim3A_813, %broadcast_in_dim3A_815, %select_n3A_802 : vector<32x128xi1>, vector<32x128xf32>
    %broadcast_in_dim3A_817 = vector.shape_cast %get3A_730 : vector<32xi32> to vector<32x1xi32>
    %eq3A_818 = arith.constant 6 : i32
    %eq3A_819 = vector.broadcast %eq3A_818 : i32 to vector<32x1xi32>
    %eq3A_820 = arith.cmpi eq, %broadcast_in_dim3A_817, %eq3A_819 : vector<32x1xi32>
    %get3A_821 = arith.constant 6 : index
    %get3A_822 = arith.constant 0 : index
    %get3A_823 = vector.load %arg5[%get3A_821, %get3A_822] : memref<16x128xf32, #tpu.memory_space<vmem>>, vector<1x128xf32>
    %get3A_824 = vector.shape_cast %get3A_823 : vector<1x128xf32> to vector<128xf32>
    %broadcast_in_dim3A_825 = vector.shape_cast %get3A_824 : vector<128xf32> to vector<1x128xf32>
    %broadcast_in_dim3A_826 = vector.shape_cast %eq3A_820 : vector<32x1xi1> to vector<32x1xi1>
    %broadcast_in_dim3A_827 = vector.broadcast %broadcast_in_dim3A_826 : vector<32x1xi1> to vector<32x128xi1>
    %broadcast_in_dim3A_828 = vector.shape_cast %broadcast_in_dim3A_825 : vector<1x128xf32> to vector<1x128xf32>
    %broadcast_in_dim3A_829 = vector.broadcast %broadcast_in_dim3A_828 : vector<1x128xf32> to vector<32x128xf32>
    %select_n3A_830 = arith.select %broadcast_in_dim3A_827, %broadcast_in_dim3A_829, %select_n3A_816 : vector<32x128xi1>, vector<32x128xf32>
    %broadcast_in_dim3A_831 = vector.shape_cast %get3A_730 : vector<32xi32> to vector<32x1xi32>
    %eq3A_832 = arith.constant 7 : i32
    %eq3A_833 = vector.broadcast %eq3A_832 : i32 to vector<32x1xi32>
    %eq3A_834 = arith.cmpi eq, %broadcast_in_dim3A_831, %eq3A_833 : vector<32x1xi32>
    %get3A_835 = arith.constant 7 : index
    %get3A_836 = arith.constant 0 : index
    %get3A_837 = vector.load %arg5[%get3A_835, %get3A_836] : memref<16x128xf32, #tpu.memory_space<vmem>>, vector<1x128xf32>
    %get3A_838 = vector.shape_cast %get3A_837 : vector<1x128xf32> to vector<128xf32>
    %broadcast_in_dim3A_839 = vector.shape_cast %get3A_838 : vector<128xf32> to vector<1x128xf32>
    %broadcast_in_dim3A_840 = vector.shape_cast %eq3A_834 : vector<32x1xi1> to vector<32x1xi1>
    %broadcast_in_dim3A_841 = vector.broadcast %broadcast_in_dim3A_840 : vector<32x1xi1> to vector<32x128xi1>
    %broadcast_in_dim3A_842 = vector.shape_cast %broadcast_in_dim3A_839 : vector<1x128xf32> to vector<1x128xf32>
    %broadcast_in_dim3A_843 = vector.broadcast %broadcast_in_dim3A_842 : vector<1x128xf32> to vector<32x128xf32>
    %select_n3A_844 = arith.select %broadcast_in_dim3A_841, %broadcast_in_dim3A_843, %select_n3A_830 : vector<32x128xi1>, vector<32x128xf32>
    %broadcast_in_dim3A_845 = vector.shape_cast %get3A_730 : vector<32xi32> to vector<32x1xi32>
    %eq3A_846 = arith.constant 8 : i32
    %eq3A_847 = vector.broadcast %eq3A_846 : i32 to vector<32x1xi32>
    %eq3A_848 = arith.cmpi eq, %broadcast_in_dim3A_845, %eq3A_847 : vector<32x1xi32>
    %get3A_849 = arith.constant 8 : index
    %get3A_850 = arith.constant 0 : index
    %get3A_851 = vector.load %arg5[%get3A_849, %get3A_850] : memref<16x128xf32, #tpu.memory_space<vmem>>, vector<1x128xf32>
    %get3A_852 = vector.shape_cast %get3A_851 : vector<1x128xf32> to vector<128xf32>
    %broadcast_in_dim3A_853 = vector.shape_cast %get3A_852 : vector<128xf32> to vector<1x128xf32>
    %broadcast_in_dim3A_854 = vector.shape_cast %eq3A_848 : vector<32x1xi1> to vector<32x1xi1>
    %broadcast_in_dim3A_855 = vector.broadcast %broadcast_in_dim3A_854 : vector<32x1xi1> to vector<32x128xi1>
    %broadcast_in_dim3A_856 = vector.shape_cast %broadcast_in_dim3A_853 : vector<1x128xf32> to vector<1x128xf32>
    %broadcast_in_dim3A_857 = vector.broadcast %broadcast_in_dim3A_856 : vector<1x128xf32> to vector<32x128xf32>
    %select_n3A_858 = arith.select %broadcast_in_dim3A_855, %broadcast_in_dim3A_857, %select_n3A_844 : vector<32x128xi1>, vector<32x128xf32>
    %broadcast_in_dim3A_859 = vector.shape_cast %get3A_730 : vector<32xi32> to vector<32x1xi32>
    %eq3A_860 = arith.constant 9 : i32
    %eq3A_861 = vector.broadcast %eq3A_860 : i32 to vector<32x1xi32>
    %eq3A_862 = arith.cmpi eq, %broadcast_in_dim3A_859, %eq3A_861 : vector<32x1xi32>
    %get3A_863 = arith.constant 9 : index
    %get3A_864 = arith.constant 0 : index
    %get3A_865 = vector.load %arg5[%get3A_863, %get3A_864] : memref<16x128xf32, #tpu.memory_space<vmem>>, vector<1x128xf32>
    %get3A_866 = vector.shape_cast %get3A_865 : vector<1x128xf32> to vector<128xf32>
    %broadcast_in_dim3A_867 = vector.shape_cast %get3A_866 : vector<128xf32> to vector<1x128xf32>
    %broadcast_in_dim3A_868 = vector.shape_cast %eq3A_862 : vector<32x1xi1> to vector<32x1xi1>
    %broadcast_in_dim3A_869 = vector.broadcast %broadcast_in_dim3A_868 : vector<32x1xi1> to vector<32x128xi1>
    %broadcast_in_dim3A_870 = vector.shape_cast %broadcast_in_dim3A_867 : vector<1x128xf32> to vector<1x128xf32>
    %broadcast_in_dim3A_871 = vector.broadcast %broadcast_in_dim3A_870 : vector<1x128xf32> to vector<32x128xf32>
    %select_n3A_872 = arith.select %broadcast_in_dim3A_869, %broadcast_in_dim3A_871, %select_n3A_858 : vector<32x128xi1>, vector<32x128xf32>
    %swap3A_873 = arith.constant 0 : index
    %swap3A_874 = arith.constant 4 : index
    %swap3A_875 = arith.constant 0 : index
    %swap3A_876 = arith.constant 1024 : index
    %swap3A_877 = vector.load %arg6[%swap3A_873, %swap3A_874, %swap3A_875, %swap3A_876] : memref<1x8x32x1152xf32, #tpu.memory_space<vmem>>, vector<1x1x32x128xf32>
    %swap3A_878 = vector.shape_cast %swap3A_877 : vector<1x1x32x128xf32> to vector<32x128xf32>
    %swap3A_879 = vector.shape_cast %select_n3A_872 : vector<32x128xf32> to vector<1x1x32x128xf32>
    tpu.vector_store %arg6[%swap3A_873, %swap3A_874, %swap3A_875, %swap3A_876], %swap3A_879 {strides = array<i32>} : memref<1x8x32x1152xf32, #tpu.memory_space<vmem>>, vector<1x1x32x128xf32>,
    %get3A_880 = arith.constant 0 : index
    %get3A_881 = arith.constant 5 : index
    %get3A_882 = arith.constant 0 : index
    %get3A_883 = vector.load %arg2[%get3A_880, %get3A_881, %get3A_882] : memref<1x8x512xf32, #tpu.memory_space<vmem>>, vector<1x1x512xf32>
    %get3A_884 = vector.shape_cast %get3A_883 : vector<1x1x512xf32> to vector<512xf32>
    %broadcast_in_dim3A_885 = vector.shape_cast %get3A_884 : vector<512xf32> to vector<1x512xf32>
    %broadcast_in_dim3A_886 = vector.shape_cast %broadcast_in_dim3A_885 : vector<1x512xf32> to vector<1x512xf32>
    %broadcast_in_dim3A_887 = vector.broadcast %broadcast_in_dim3A_886 : vector<1x512xf32> to vector<32x512xf32>
    %swap3A_888 = arith.constant 0 : index
    %swap3A_889 = arith.constant 5 : index
    %swap3A_890 = arith.constant 0 : index
    %swap3A_891 = arith.constant 0 : index
    %swap3A_892 = vector.load %arg6[%swap3A_888, %swap3A_889, %swap3A_890, %swap3A_891] : memref<1x8x32x1152xf32, #tpu.memory_space<vmem>>, vector<1x1x32x512xf32>
    %swap3A_893 = vector.shape_cast %swap3A_892 : vector<1x1x32x512xf32> to vector<32x512xf32>
    %swap3A_894 = vector.shape_cast %broadcast_in_dim3A_887 : vector<32x512xf32> to vector<1x1x32x512xf32>
    tpu.vector_store %arg6[%swap3A_888, %swap3A_889, %swap3A_890, %swap3A_891], %swap3A_894 {strides = array<i32>} : memref<1x8x32x1152xf32, #tpu.memory_space<vmem>>, vector<1x1x32x512xf32>,
    %swap3A_895 = arith.constant 0 : index
    %swap3A_896 = arith.constant 5 : index
    %swap3A_897 = arith.constant 0 : index
    %swap3A_898 = arith.constant 512 : index
    %swap3A_899 = vector.load %arg6[%swap3A_895, %swap3A_896, %swap3A_897, %swap3A_898] : memref<1x8x32x1152xf32, #tpu.memory_space<vmem>>, vector<1x1x32x512xf32>
    %swap3A_900 = vector.shape_cast %swap3A_899 : vector<1x1x32x512xf32> to vector<32x512xf32>
    %swap3A_901 = vector.shape_cast %get3A_3 : vector<32x512xf32> to vector<1x1x32x512xf32>
    tpu.vector_store %arg6[%swap3A_895, %swap3A_896, %swap3A_897, %swap3A_898], %swap3A_901 {strides = array<i32>} : memref<1x8x32x1152xf32, #tpu.memory_space<vmem>>, vector<1x1x32x512xf32>,
    %get3A_902 = arith.constant 0 : index
    %get3A_903 = arith.constant 5 : index
    %get3A_904 = arith.constant 0 : index
    %get3A_905 = vector.load %arg4[%get3A_902, %get3A_903, %get3A_904] : memref<1x8x32xi32, #tpu.memory_space<vmem>>, vector<1x1x32xi32>
    %get3A_906 = vector.shape_cast %get3A_905 : vector<1x1x32xi32> to vector<32xi32>
    %broadcast_in_dim3A_907 = arith.constant 0.000000e+00 : f32
    %broadcast_in_dim3A_908 = vector.broadcast %broadcast_in_dim3A_907 : f32 to vector<32x128xf32>
    %broadcast_in_dim3A_909 = vector.shape_cast %get3A_906 : vector<32xi32> to vector<32x1xi32>
    %eq3A_910 = arith.constant 0 : i32
    %eq3A_911 = vector.broadcast %eq3A_910 : i32 to vector<32x1xi32>
    %eq3A_912 = arith.cmpi eq, %broadcast_in_dim3A_909, %eq3A_911 : vector<32x1xi32>
    %get3A_913 = arith.constant 0 : index
    %get3A_914 = arith.constant 0 : index
    %get3A_915 = vector.load %arg5[%get3A_913, %get3A_914] : memref<16x128xf32, #tpu.memory_space<vmem>>, vector<1x128xf32>
    %get3A_916 = vector.shape_cast %get3A_915 : vector<1x128xf32> to vector<128xf32>
    %broadcast_in_dim3A_917 = vector.shape_cast %get3A_916 : vector<128xf32> to vector<1x128xf32>
    %broadcast_in_dim3A_918 = vector.shape_cast %eq3A_912 : vector<32x1xi1> to vector<32x1xi1>
    %broadcast_in_dim3A_919 = vector.broadcast %broadcast_in_dim3A_918 : vector<32x1xi1> to vector<32x128xi1>
    %broadcast_in_dim3A_920 = vector.shape_cast %broadcast_in_dim3A_917 : vector<1x128xf32> to vector<1x128xf32>
    %broadcast_in_dim3A_921 = vector.broadcast %broadcast_in_dim3A_920 : vector<1x128xf32> to vector<32x128xf32>
    %select_n3A_922 = arith.select %broadcast_in_dim3A_919, %broadcast_in_dim3A_921, %broadcast_in_dim3A_908 : vector<32x128xi1>, vector<32x128xf32>
    %broadcast_in_dim3A_923 = vector.shape_cast %get3A_906 : vector<32xi32> to vector<32x1xi32>
    %eq3A_924 = arith.constant 1 : i32
    %eq3A_925 = vector.broadcast %eq3A_924 : i32 to vector<32x1xi32>
    %eq3A_926 = arith.cmpi eq, %broadcast_in_dim3A_923, %eq3A_925 : vector<32x1xi32>
    %get3A_927 = arith.constant 1 : index
    %get3A_928 = arith.constant 0 : index
    %get3A_929 = vector.load %arg5[%get3A_927, %get3A_928] : memref<16x128xf32, #tpu.memory_space<vmem>>, vector<1x128xf32>
    %get3A_930 = vector.shape_cast %get3A_929 : vector<1x128xf32> to vector<128xf32>
    %broadcast_in_dim3A_931 = vector.shape_cast %get3A_930 : vector<128xf32> to vector<1x128xf32>
    %broadcast_in_dim3A_932 = vector.shape_cast %eq3A_926 : vector<32x1xi1> to vector<32x1xi1>
    %broadcast_in_dim3A_933 = vector.broadcast %broadcast_in_dim3A_932 : vector<32x1xi1> to vector<32x128xi1>
    %broadcast_in_dim3A_934 = vector.shape_cast %broadcast_in_dim3A_931 : vector<1x128xf32> to vector<1x128xf32>
    %broadcast_in_dim3A_935 = vector.broadcast %broadcast_in_dim3A_934 : vector<1x128xf32> to vector<32x128xf32>
    %select_n3A_936 = arith.select %broadcast_in_dim3A_933, %broadcast_in_dim3A_935, %select_n3A_922 : vector<32x128xi1>, vector<32x128xf32>
    %broadcast_in_dim3A_937 = vector.shape_cast %get3A_906 : vector<32xi32> to vector<32x1xi32>
    %eq3A_938 = arith.constant 2 : i32
    %eq3A_939 = vector.broadcast %eq3A_938 : i32 to vector<32x1xi32>
    %eq3A_940 = arith.cmpi eq, %broadcast_in_dim3A_937, %eq3A_939 : vector<32x1xi32>
    %get3A_941 = arith.constant 2 : index
    %get3A_942 = arith.constant 0 : index
    %get3A_943 = vector.load %arg5[%get3A_941, %get3A_942] : memref<16x128xf32, #tpu.memory_space<vmem>>, vector<1x128xf32>
    %get3A_944 = vector.shape_cast %get3A_943 : vector<1x128xf32> to vector<128xf32>
    %broadcast_in_dim3A_945 = vector.shape_cast %get3A_944 : vector<128xf32> to vector<1x128xf32>
    %broadcast_in_dim3A_946 = vector.shape_cast %eq3A_940 : vector<32x1xi1> to vector<32x1xi1>
    %broadcast_in_dim3A_947 = vector.broadcast %broadcast_in_dim3A_946 : vector<32x1xi1> to vector<32x128xi1>
    %broadcast_in_dim3A_948 = vector.shape_cast %broadcast_in_dim3A_945 : vector<1x128xf32> to vector<1x128xf32>
    %broadcast_in_dim3A_949 = vector.broadcast %broadcast_in_dim3A_948 : vector<1x128xf32> to vector<32x128xf32>
    %select_n3A_950 = arith.select %broadcast_in_dim3A_947, %broadcast_in_dim3A_949, %select_n3A_936 : vector<32x128xi1>, vector<32x128xf32>
    %broadcast_in_dim3A_951 = vector.shape_cast %get3A_906 : vector<32xi32> to vector<32x1xi32>
    %eq3A_952 = arith.constant 3 : i32
    %eq3A_953 = vector.broadcast %eq3A_952 : i32 to vector<32x1xi32>
    %eq3A_954 = arith.cmpi eq, %broadcast_in_dim3A_951, %eq3A_953 : vector<32x1xi32>
    %get3A_955 = arith.constant 3 : index
    %get3A_956 = arith.constant 0 : index
    %get3A_957 = vector.load %arg5[%get3A_955, %get3A_956] : memref<16x128xf32, #tpu.memory_space<vmem>>, vector<1x128xf32>
    %get3A_958 = vector.shape_cast %get3A_957 : vector<1x128xf32> to vector<128xf32>
    %broadcast_in_dim3A_959 = vector.shape_cast %get3A_958 : vector<128xf32> to vector<1x128xf32>
    %broadcast_in_dim3A_960 = vector.shape_cast %eq3A_954 : vector<32x1xi1> to vector<32x1xi1>
    %broadcast_in_dim3A_961 = vector.broadcast %broadcast_in_dim3A_960 : vector<32x1xi1> to vector<32x128xi1>
    %broadcast_in_dim3A_962 = vector.shape_cast %broadcast_in_dim3A_959 : vector<1x128xf32> to vector<1x128xf32>
    %broadcast_in_dim3A_963 = vector.broadcast %broadcast_in_dim3A_962 : vector<1x128xf32> to vector<32x128xf32>
    %select_n3A_964 = arith.select %broadcast_in_dim3A_961, %broadcast_in_dim3A_963, %select_n3A_950 : vector<32x128xi1>, vector<32x128xf32>
    %broadcast_in_dim3A_965 = vector.shape_cast %get3A_906 : vector<32xi32> to vector<32x1xi32>
    %eq3A_966 = arith.constant 4 : i32
    %eq3A_967 = vector.broadcast %eq3A_966 : i32 to vector<32x1xi32>
    %eq3A_968 = arith.cmpi eq, %broadcast_in_dim3A_965, %eq3A_967 : vector<32x1xi32>
    %get3A_969 = arith.constant 4 : index
    %get3A_970 = arith.constant 0 : index
    %get3A_971 = vector.load %arg5[%get3A_969, %get3A_970] : memref<16x128xf32, #tpu.memory_space<vmem>>, vector<1x128xf32>
    %get3A_972 = vector.shape_cast %get3A_971 : vector<1x128xf32> to vector<128xf32>
    %broadcast_in_dim3A_973 = vector.shape_cast %get3A_972 : vector<128xf32> to vector<1x128xf32>
    %broadcast_in_dim3A_974 = vector.shape_cast %eq3A_968 : vector<32x1xi1> to vector<32x1xi1>
    %broadcast_in_dim3A_975 = vector.broadcast %broadcast_in_dim3A_974 : vector<32x1xi1> to vector<32x128xi1>
    %broadcast_in_dim3A_976 = vector.shape_cast %broadcast_in_dim3A_973 : vector<1x128xf32> to vector<1x128xf32>
    %broadcast_in_dim3A_977 = vector.broadcast %broadcast_in_dim3A_976 : vector<1x128xf32> to vector<32x128xf32>
    %select_n3A_978 = arith.select %broadcast_in_dim3A_975, %broadcast_in_dim3A_977, %select_n3A_964 : vector<32x128xi1>, vector<32x128xf32>
    %broadcast_in_dim3A_979 = vector.shape_cast %get3A_906 : vector<32xi32> to vector<32x1xi32>
    %eq3A_980 = arith.constant 5 : i32
    %eq3A_981 = vector.broadcast %eq3A_980 : i32 to vector<32x1xi32>
    %eq3A_982 = arith.cmpi eq, %broadcast_in_dim3A_979, %eq3A_981 : vector<32x1xi32>
    %get3A_983 = arith.constant 5 : index
    %get3A_984 = arith.constant 0 : index
    %get3A_985 = vector.load %arg5[%get3A_983, %get3A_984] : memref<16x128xf32, #tpu.memory_space<vmem>>, vector<1x128xf32>
    %get3A_986 = vector.shape_cast %get3A_985 : vector<1x128xf32> to vector<128xf32>
    %broadcast_in_dim3A_987 = vector.shape_cast %get3A_986 : vector<128xf32> to vector<1x128xf32>
    %broadcast_in_dim3A_988 = vector.shape_cast %eq3A_982 : vector<32x1xi1> to vector<32x1xi1>
    %broadcast_in_dim3A_989 = vector.broadcast %broadcast_in_dim3A_988 : vector<32x1xi1> to vector<32x128xi1>
    %broadcast_in_dim3A_990 = vector.shape_cast %broadcast_in_dim3A_987 : vector<1x128xf32> to vector<1x128xf32>
    %broadcast_in_dim3A_991 = vector.broadcast %broadcast_in_dim3A_990 : vector<1x128xf32> to vector<32x128xf32>
    %select_n3A_992 = arith.select %broadcast_in_dim3A_989, %broadcast_in_dim3A_991, %select_n3A_978 : vector<32x128xi1>, vector<32x128xf32>
    %broadcast_in_dim3A_993 = vector.shape_cast %get3A_906 : vector<32xi32> to vector<32x1xi32>
    %eq3A_994 = arith.constant 6 : i32
    %eq3A_995 = vector.broadcast %eq3A_994 : i32 to vector<32x1xi32>
    %eq3A_996 = arith.cmpi eq, %broadcast_in_dim3A_993, %eq3A_995 : vector<32x1xi32>
    %get3A_997 = arith.constant 6 : index
    %get3A_998 = arith.constant 0 : index
    %get3A_999 = vector.load %arg5[%get3A_997, %get3A_998] : memref<16x128xf32, #tpu.memory_space<vmem>>, vector<1x128xf32>
    %get3A_1000 = vector.shape_cast %get3A_999 : vector<1x128xf32> to vector<128xf32>
    %broadcast_in_dim3A_1001 = vector.shape_cast %get3A_1000 : vector<128xf32> to vector<1x128xf32>
    %broadcast_in_dim3A_1002 = vector.shape_cast %eq3A_996 : vector<32x1xi1> to vector<32x1xi1>
    %broadcast_in_dim3A_1003 = vector.broadcast %broadcast_in_dim3A_1002 : vector<32x1xi1> to vector<32x128xi1>
    %broadcast_in_dim3A_1004 = vector.shape_cast %broadcast_in_dim3A_1001 : vector<1x128xf32> to vector<1x128xf32>
    %broadcast_in_dim3A_1005 = vector.broadcast %broadcast_in_dim3A_1004 : vector<1x128xf32> to vector<32x128xf32>
    %select_n3A_1006 = arith.select %broadcast_in_dim3A_1003, %broadcast_in_dim3A_1005, %select_n3A_992 : vector<32x128xi1>, vector<32x128xf32>
    %broadcast_in_dim3A_1007 = vector.shape_cast %get3A_906 : vector<32xi32> to vector<32x1xi32>
    %eq3A_1008 = arith.constant 7 : i32
    %eq3A_1009 = vector.broadcast %eq3A_1008 : i32 to vector<32x1xi32>
    %eq3A_1010 = arith.cmpi eq, %broadcast_in_dim3A_1007, %eq3A_1009 : vector<32x1xi32>
    %get3A_1011 = arith.constant 7 : index
    %get3A_1012 = arith.constant 0 : index
    %get3A_1013 = vector.load %arg5[%get3A_1011, %get3A_1012] : memref<16x128xf32, #tpu.memory_space<vmem>>, vector<1x128xf32>
    %get3A_1014 = vector.shape_cast %get3A_1013 : vector<1x128xf32> to vector<128xf32>
    %broadcast_in_dim3A_1015 = vector.shape_cast %get3A_1014 : vector<128xf32> to vector<1x128xf32>
    %broadcast_in_dim3A_1016 = vector.shape_cast %eq3A_1010 : vector<32x1xi1> to vector<32x1xi1>
    %broadcast_in_dim3A_1017 = vector.broadcast %broadcast_in_dim3A_1016 : vector<32x1xi1> to vector<32x128xi1>
    %broadcast_in_dim3A_1018 = vector.shape_cast %broadcast_in_dim3A_1015 : vector<1x128xf32> to vector<1x128xf32>
    %broadcast_in_dim3A_1019 = vector.broadcast %broadcast_in_dim3A_1018 : vector<1x128xf32> to vector<32x128xf32>
    %select_n3A_1020 = arith.select %broadcast_in_dim3A_1017, %broadcast_in_dim3A_1019, %select_n3A_1006 : vector<32x128xi1>, vector<32x128xf32>
    %broadcast_in_dim3A_1021 = vector.shape_cast %get3A_906 : vector<32xi32> to vector<32x1xi32>
    %eq3A_1022 = arith.constant 8 : i32
    %eq3A_1023 = vector.broadcast %eq3A_1022 : i32 to vector<32x1xi32>
    %eq3A_1024 = arith.cmpi eq, %broadcast_in_dim3A_1021, %eq3A_1023 : vector<32x1xi32>
    %get3A_1025 = arith.constant 8 : index
    %get3A_1026 = arith.constant 0 : index
    %get3A_1027 = vector.load %arg5[%get3A_1025, %get3A_1026] : memref<16x128xf32, #tpu.memory_space<vmem>>, vector<1x128xf32>
    %get3A_1028 = vector.shape_cast %get3A_1027 : vector<1x128xf32> to vector<128xf32>
    %broadcast_in_dim3A_1029 = vector.shape_cast %get3A_1028 : vector<128xf32> to vector<1x128xf32>
    %broadcast_in_dim3A_1030 = vector.shape_cast %eq3A_1024 : vector<32x1xi1> to vector<32x1xi1>
    %broadcast_in_dim3A_1031 = vector.broadcast %broadcast_in_dim3A_1030 : vector<32x1xi1> to vector<32x128xi1>
    %broadcast_in_dim3A_1032 = vector.shape_cast %broadcast_in_dim3A_1029 : vector<1x128xf32> to vector<1x128xf32>
    %broadcast_in_dim3A_1033 = vector.broadcast %broadcast_in_dim3A_1032 : vector<1x128xf32> to vector<32x128xf32>
    %select_n3A_1034 = arith.select %broadcast_in_dim3A_1031, %broadcast_in_dim3A_1033, %select_n3A_1020 : vector<32x128xi1>, vector<32x128xf32>
    %broadcast_in_dim3A_1035 = vector.shape_cast %get3A_906 : vector<32xi32> to vector<32x1xi32>
    %eq3A_1036 = arith.constant 9 : i32
    %eq3A_1037 = vector.broadcast %eq3A_1036 : i32 to vector<32x1xi32>
    %eq3A_1038 = arith.cmpi eq, %broadcast_in_dim3A_1035, %eq3A_1037 : vector<32x1xi32>
    %get3A_1039 = arith.constant 9 : index
    %get3A_1040 = arith.constant 0 : index
    %get3A_1041 = vector.load %arg5[%get3A_1039, %get3A_1040] : memref<16x128xf32, #tpu.memory_space<vmem>>, vector<1x128xf32>
    %get3A_1042 = vector.shape_cast %get3A_1041 : vector<1x128xf32> to vector<128xf32>
    %broadcast_in_dim3A_1043 = vector.shape_cast %get3A_1042 : vector<128xf32> to vector<1x128xf32>
    %broadcast_in_dim3A_1044 = vector.shape_cast %eq3A_1038 : vector<32x1xi1> to vector<32x1xi1>
    %broadcast_in_dim3A_1045 = vector.broadcast %broadcast_in_dim3A_1044 : vector<32x1xi1> to vector<32x128xi1>
    %broadcast_in_dim3A_1046 = vector.shape_cast %broadcast_in_dim3A_1043 : vector<1x128xf32> to vector<1x128xf32>
    %broadcast_in_dim3A_1047 = vector.broadcast %broadcast_in_dim3A_1046 : vector<1x128xf32> to vector<32x128xf32>
    %select_n3A_1048 = arith.select %broadcast_in_dim3A_1045, %broadcast_in_dim3A_1047, %select_n3A_1034 : vector<32x128xi1>, vector<32x128xf32>
    %swap3A_1049 = arith.constant 0 : index
    %swap3A_1050 = arith.constant 5 : index
    %swap3A_1051 = arith.constant 0 : index
    %swap3A_1052 = arith.constant 1024 : index
    %swap3A_1053 = vector.load %arg6[%swap3A_1049, %swap3A_1050, %swap3A_1051, %swap3A_1052] : memref<1x8x32x1152xf32, #tpu.memory_space<vmem>>, vector<1x1x32x128xf32>
    %swap3A_1054 = vector.shape_cast %swap3A_1053 : vector<1x1x32x128xf32> to vector<32x128xf32>
    %swap3A_1055 = vector.shape_cast %select_n3A_1048 : vector<32x128xf32> to vector<1x1x32x128xf32>
    tpu.vector_store %arg6[%swap3A_1049, %swap3A_1050, %swap3A_1051, %swap3A_1052], %swap3A_1055 {strides = array<i32>} : memref<1x8x32x1152xf32, #tpu.memory_space<vmem>>, vector<1x1x32x128xf32>,
    %get3A_1056 = arith.constant 0 : index
    %get3A_1057 = arith.constant 6 : index
    %get3A_1058 = arith.constant 0 : index
    %get3A_1059 = vector.load %arg2[%get3A_1056, %get3A_1057, %get3A_1058] : memref<1x8x512xf32, #tpu.memory_space<vmem>>, vector<1x1x512xf32>
    %get3A_1060 = vector.shape_cast %get3A_1059 : vector<1x1x512xf32> to vector<512xf32>
    %broadcast_in_dim3A_1061 = vector.shape_cast %get3A_1060 : vector<512xf32> to vector<1x512xf32>
    %broadcast_in_dim3A_1062 = vector.shape_cast %broadcast_in_dim3A_1061 : vector<1x512xf32> to vector<1x512xf32>
    %broadcast_in_dim3A_1063 = vector.broadcast %broadcast_in_dim3A_1062 : vector<1x512xf32> to vector<32x512xf32>
    %swap3A_1064 = arith.constant 0 : index
    %swap3A_1065 = arith.constant 6 : index
    %swap3A_1066 = arith.constant 0 : index
    %swap3A_1067 = arith.constant 0 : index
    %swap3A_1068 = vector.load %arg6[%swap3A_1064, %swap3A_1065, %swap3A_1066, %swap3A_1067] : memref<1x8x32x1152xf32, #tpu.memory_space<vmem>>, vector<1x1x32x512xf32>
    %swap3A_1069 = vector.shape_cast %swap3A_1068 : vector<1x1x32x512xf32> to vector<32x512xf32>
    %swap3A_1070 = vector.shape_cast %broadcast_in_dim3A_1063 : vector<32x512xf32> to vector<1x1x32x512xf32>
    tpu.vector_store %arg6[%swap3A_1064, %swap3A_1065, %swap3A_1066, %swap3A_1067], %swap3A_1070 {strides = array<i32>} : memref<1x8x32x1152xf32, #tpu.memory_space<vmem>>, vector<1x1x32x512xf32>,
    %swap3A_1071 = arith.constant 0 : index
    %swap3A_1072 = arith.constant 6 : index
    %swap3A_1073 = arith.constant 0 : index
    %swap3A_1074 = arith.constant 512 : index
    %swap3A_1075 = vector.load %arg6[%swap3A_1071, %swap3A_1072, %swap3A_1073, %swap3A_1074] : memref<1x8x32x1152xf32, #tpu.memory_space<vmem>>, vector<1x1x32x512xf32>
    %swap3A_1076 = vector.shape_cast %swap3A_1075 : vector<1x1x32x512xf32> to vector<32x512xf32>
    %swap3A_1077 = vector.shape_cast %get3A_3 : vector<32x512xf32> to vector<1x1x32x512xf32>
    tpu.vector_store %arg6[%swap3A_1071, %swap3A_1072, %swap3A_1073, %swap3A_1074], %swap3A_1077 {strides = array<i32>} : memref<1x8x32x1152xf32, #tpu.memory_space<vmem>>, vector<1x1x32x512xf32>,
    %get3A_1078 = arith.constant 0 : index
    %get3A_1079 = arith.constant 6 : index
    %get3A_1080 = arith.constant 0 : index
    %get3A_1081 = vector.load %arg4[%get3A_1078, %get3A_1079, %get3A_1080] : memref<1x8x32xi32, #tpu.memory_space<vmem>>, vector<1x1x32xi32>
    %get3A_1082 = vector.shape_cast %get3A_1081 : vector<1x1x32xi32> to vector<32xi32>
    %broadcast_in_dim3A_1083 = arith.constant 0.000000e+00 : f32
    %broadcast_in_dim3A_1084 = vector.broadcast %broadcast_in_dim3A_1083 : f32 to vector<32x128xf32>
    %broadcast_in_dim3A_1085 = vector.shape_cast %get3A_1082 : vector<32xi32> to vector<32x1xi32>
    %eq3A_1086 = arith.constant 0 : i32
    %eq3A_1087 = vector.broadcast %eq3A_1086 : i32 to vector<32x1xi32>
    %eq3A_1088 = arith.cmpi eq, %broadcast_in_dim3A_1085, %eq3A_1087 : vector<32x1xi32>
    %get3A_1089 = arith.constant 0 : index
    %get3A_1090 = arith.constant 0 : index
    %get3A_1091 = vector.load %arg5[%get3A_1089, %get3A_1090] : memref<16x128xf32, #tpu.memory_space<vmem>>, vector<1x128xf32>
    %get3A_1092 = vector.shape_cast %get3A_1091 : vector<1x128xf32> to vector<128xf32>
    %broadcast_in_dim3A_1093 = vector.shape_cast %get3A_1092 : vector<128xf32> to vector<1x128xf32>
    %broadcast_in_dim3A_1094 = vector.shape_cast %eq3A_1088 : vector<32x1xi1> to vector<32x1xi1>
    %broadcast_in_dim3A_1095 = vector.broadcast %broadcast_in_dim3A_1094 : vector<32x1xi1> to vector<32x128xi1>
    %broadcast_in_dim3A_1096 = vector.shape_cast %broadcast_in_dim3A_1093 : vector<1x128xf32> to vector<1x128xf32>
    %broadcast_in_dim3A_1097 = vector.broadcast %broadcast_in_dim3A_1096 : vector<1x128xf32> to vector<32x128xf32>
    %select_n3A_1098 = arith.select %broadcast_in_dim3A_1095, %broadcast_in_dim3A_1097, %broadcast_in_dim3A_1084 : vector<32x128xi1>, vector<32x128xf32>
    %broadcast_in_dim3A_1099 = vector.shape_cast %get3A_1082 : vector<32xi32> to vector<32x1xi32>
    %eq3A_1100 = arith.constant 1 : i32
    %eq3A_1101 = vector.broadcast %eq3A_1100 : i32 to vector<32x1xi32>
    %eq3A_1102 = arith.cmpi eq, %broadcast_in_dim3A_1099, %eq3A_1101 : vector<32x1xi32>
    %get3A_1103 = arith.constant 1 : index
    %get3A_1104 = arith.constant 0 : index
    %get3A_1105 = vector.load %arg5[%get3A_1103, %get3A_1104] : memref<16x128xf32, #tpu.memory_space<vmem>>, vector<1x128xf32>
    %get3A_1106 = vector.shape_cast %get3A_1105 : vector<1x128xf32> to vector<128xf32>
    %broadcast_in_dim3A_1107 = vector.shape_cast %get3A_1106 : vector<128xf32> to vector<1x128xf32>
    %broadcast_in_dim3A_1108 = vector.shape_cast %eq3A_1102 : vector<32x1xi1> to vector<32x1xi1>
    %broadcast_in_dim3A_1109 = vector.broadcast %broadcast_in_dim3A_1108 : vector<32x1xi1> to vector<32x128xi1>
    %broadcast_in_dim3A_1110 = vector.shape_cast %broadcast_in_dim3A_1107 : vector<1x128xf32> to vector<1x128xf32>
    %broadcast_in_dim3A_1111 = vector.broadcast %broadcast_in_dim3A_1110 : vector<1x128xf32> to vector<32x128xf32>
    %select_n3A_1112 = arith.select %broadcast_in_dim3A_1109, %broadcast_in_dim3A_1111, %select_n3A_1098 : vector<32x128xi1>, vector<32x128xf32>
    %broadcast_in_dim3A_1113 = vector.shape_cast %get3A_1082 : vector<32xi32> to vector<32x1xi32>
    %eq3A_1114 = arith.constant 2 : i32
    %eq3A_1115 = vector.broadcast %eq3A_1114 : i32 to vector<32x1xi32>
    %eq3A_1116 = arith.cmpi eq, %broadcast_in_dim3A_1113, %eq3A_1115 : vector<32x1xi32>
    %get3A_1117 = arith.constant 2 : index
    %get3A_1118 = arith.constant 0 : index
    %get3A_1119 = vector.load %arg5[%get3A_1117, %get3A_1118] : memref<16x128xf32, #tpu.memory_space<vmem>>, vector<1x128xf32>
    %get3A_1120 = vector.shape_cast %get3A_1119 : vector<1x128xf32> to vector<128xf32>
    %broadcast_in_dim3A_1121 = vector.shape_cast %get3A_1120 : vector<128xf32> to vector<1x128xf32>
    %broadcast_in_dim3A_1122 = vector.shape_cast %eq3A_1116 : vector<32x1xi1> to vector<32x1xi1>
    %broadcast_in_dim3A_1123 = vector.broadcast %broadcast_in_dim3A_1122 : vector<32x1xi1> to vector<32x128xi1>
    %broadcast_in_dim3A_1124 = vector.shape_cast %broadcast_in_dim3A_1121 : vector<1x128xf32> to vector<1x128xf32>
    %broadcast_in_dim3A_1125 = vector.broadcast %broadcast_in_dim3A_1124 : vector<1x128xf32> to vector<32x128xf32>
    %select_n3A_1126 = arith.select %broadcast_in_dim3A_1123, %broadcast_in_dim3A_1125, %select_n3A_1112 : vector<32x128xi1>, vector<32x128xf32>
    %broadcast_in_dim3A_1127 = vector.shape_cast %get3A_1082 : vector<32xi32> to vector<32x1xi32>
    %eq3A_1128 = arith.constant 3 : i32
    %eq3A_1129 = vector.broadcast %eq3A_1128 : i32 to vector<32x1xi32>
    %eq3A_1130 = arith.cmpi eq, %broadcast_in_dim3A_1127, %eq3A_1129 : vector<32x1xi32>
    %get3A_1131 = arith.constant 3 : index
    %get3A_1132 = arith.constant 0 : index
    %get3A_1133 = vector.load %arg5[%get3A_1131, %get3A_1132] : memref<16x128xf32, #tpu.memory_space<vmem>>, vector<1x128xf32>
    %get3A_1134 = vector.shape_cast %get3A_1133 : vector<1x128xf32> to vector<128xf32>
    %broadcast_in_dim3A_1135 = vector.shape_cast %get3A_1134 : vector<128xf32> to vector<1x128xf32>
    %broadcast_in_dim3A_1136 = vector.shape_cast %eq3A_1130 : vector<32x1xi1> to vector<32x1xi1>
    %broadcast_in_dim3A_1137 = vector.broadcast %broadcast_in_dim3A_1136 : vector<32x1xi1> to vector<32x128xi1>
    %broadcast_in_dim3A_1138 = vector.shape_cast %broadcast_in_dim3A_1135 : vector<1x128xf32> to vector<1x128xf32>
    %broadcast_in_dim3A_1139 = vector.broadcast %broadcast_in_dim3A_1138 : vector<1x128xf32> to vector<32x128xf32>
    %select_n3A_1140 = arith.select %broadcast_in_dim3A_1137, %broadcast_in_dim3A_1139, %select_n3A_1126 : vector<32x128xi1>, vector<32x128xf32>
    %broadcast_in_dim3A_1141 = vector.shape_cast %get3A_1082 : vector<32xi32> to vector<32x1xi32>
    %eq3A_1142 = arith.constant 4 : i32
    %eq3A_1143 = vector.broadcast %eq3A_1142 : i32 to vector<32x1xi32>
    %eq3A_1144 = arith.cmpi eq, %broadcast_in_dim3A_1141, %eq3A_1143 : vector<32x1xi32>
    %get3A_1145 = arith.constant 4 : index
    %get3A_1146 = arith.constant 0 : index
    %get3A_1147 = vector.load %arg5[%get3A_1145, %get3A_1146] : memref<16x128xf32, #tpu.memory_space<vmem>>, vector<1x128xf32>
    %get3A_1148 = vector.shape_cast %get3A_1147 : vector<1x128xf32> to vector<128xf32>
    %broadcast_in_dim3A_1149 = vector.shape_cast %get3A_1148 : vector<128xf32> to vector<1x128xf32>
    %broadcast_in_dim3A_1150 = vector.shape_cast %eq3A_1144 : vector<32x1xi1> to vector<32x1xi1>
    %broadcast_in_dim3A_1151 = vector.broadcast %broadcast_in_dim3A_1150 : vector<32x1xi1> to vector<32x128xi1>
    %broadcast_in_dim3A_1152 = vector.shape_cast %broadcast_in_dim3A_1149 : vector<1x128xf32> to vector<1x128xf32>
    %broadcast_in_dim3A_1153 = vector.broadcast %broadcast_in_dim3A_1152 : vector<1x128xf32> to vector<32x128xf32>
    %select_n3A_1154 = arith.select %broadcast_in_dim3A_1151, %broadcast_in_dim3A_1153, %select_n3A_1140 : vector<32x128xi1>, vector<32x128xf32>
    %broadcast_in_dim3A_1155 = vector.shape_cast %get3A_1082 : vector<32xi32> to vector<32x1xi32>
    %eq3A_1156 = arith.constant 5 : i32
    %eq3A_1157 = vector.broadcast %eq3A_1156 : i32 to vector<32x1xi32>
    %eq3A_1158 = arith.cmpi eq, %broadcast_in_dim3A_1155, %eq3A_1157 : vector<32x1xi32>
    %get3A_1159 = arith.constant 5 : index
    %get3A_1160 = arith.constant 0 : index
    %get3A_1161 = vector.load %arg5[%get3A_1159, %get3A_1160] : memref<16x128xf32, #tpu.memory_space<vmem>>, vector<1x128xf32>
    %get3A_1162 = vector.shape_cast %get3A_1161 : vector<1x128xf32> to vector<128xf32>
    %broadcast_in_dim3A_1163 = vector.shape_cast %get3A_1162 : vector<128xf32> to vector<1x128xf32>
    %broadcast_in_dim3A_1164 = vector.shape_cast %eq3A_1158 : vector<32x1xi1> to vector<32x1xi1>
    %broadcast_in_dim3A_1165 = vector.broadcast %broadcast_in_dim3A_1164 : vector<32x1xi1> to vector<32x128xi1>
    %broadcast_in_dim3A_1166 = vector.shape_cast %broadcast_in_dim3A_1163 : vector<1x128xf32> to vector<1x128xf32>
    %broadcast_in_dim3A_1167 = vector.broadcast %broadcast_in_dim3A_1166 : vector<1x128xf32> to vector<32x128xf32>
    %select_n3A_1168 = arith.select %broadcast_in_dim3A_1165, %broadcast_in_dim3A_1167, %select_n3A_1154 : vector<32x128xi1>, vector<32x128xf32>
    %broadcast_in_dim3A_1169 = vector.shape_cast %get3A_1082 : vector<32xi32> to vector<32x1xi32>
    %eq3A_1170 = arith.constant 6 : i32
    %eq3A_1171 = vector.broadcast %eq3A_1170 : i32 to vector<32x1xi32>
    %eq3A_1172 = arith.cmpi eq, %broadcast_in_dim3A_1169, %eq3A_1171 : vector<32x1xi32>
    %get3A_1173 = arith.constant 6 : index
    %get3A_1174 = arith.constant 0 : index
    %get3A_1175 = vector.load %arg5[%get3A_1173, %get3A_1174] : memref<16x128xf32, #tpu.memory_space<vmem>>, vector<1x128xf32>
    %get3A_1176 = vector.shape_cast %get3A_1175 : vector<1x128xf32> to vector<128xf32>
    %broadcast_in_dim3A_1177 = vector.shape_cast %get3A_1176 : vector<128xf32> to vector<1x128xf32>
    %broadcast_in_dim3A_1178 = vector.shape_cast %eq3A_1172 : vector<32x1xi1> to vector<32x1xi1>
    %broadcast_in_dim3A_1179 = vector.broadcast %broadcast_in_dim3A_1178 : vector<32x1xi1> to vector<32x128xi1>
    %broadcast_in_dim3A_1180 = vector.shape_cast %broadcast_in_dim3A_1177 : vector<1x128xf32> to vector<1x128xf32>
    %broadcast_in_dim3A_1181 = vector.broadcast %broadcast_in_dim3A_1180 : vector<1x128xf32> to vector<32x128xf32>
    %select_n3A_1182 = arith.select %broadcast_in_dim3A_1179, %broadcast_in_dim3A_1181, %select_n3A_1168 : vector<32x128xi1>, vector<32x128xf32>
    %broadcast_in_dim3A_1183 = vector.shape_cast %get3A_1082 : vector<32xi32> to vector<32x1xi32>
    %eq3A_1184 = arith.constant 7 : i32
    %eq3A_1185 = vector.broadcast %eq3A_1184 : i32 to vector<32x1xi32>
    %eq3A_1186 = arith.cmpi eq, %broadcast_in_dim3A_1183, %eq3A_1185 : vector<32x1xi32>
    %get3A_1187 = arith.constant 7 : index
    %get3A_1188 = arith.constant 0 : index
    %get3A_1189 = vector.load %arg5[%get3A_1187, %get3A_1188] : memref<16x128xf32, #tpu.memory_space<vmem>>, vector<1x128xf32>
    %get3A_1190 = vector.shape_cast %get3A_1189 : vector<1x128xf32> to vector<128xf32>
    %broadcast_in_dim3A_1191 = vector.shape_cast %get3A_1190 : vector<128xf32> to vector<1x128xf32>
    %broadcast_in_dim3A_1192 = vector.shape_cast %eq3A_1186 : vector<32x1xi1> to vector<32x1xi1>
    %broadcast_in_dim3A_1193 = vector.broadcast %broadcast_in_dim3A_1192 : vector<32x1xi1> to vector<32x128xi1>
    %broadcast_in_dim3A_1194 = vector.shape_cast %broadcast_in_dim3A_1191 : vector<1x128xf32> to vector<1x128xf32>
    %broadcast_in_dim3A_1195 = vector.broadcast %broadcast_in_dim3A_1194 : vector<1x128xf32> to vector<32x128xf32>
    %select_n3A_1196 = arith.select %broadcast_in_dim3A_1193, %broadcast_in_dim3A_1195, %select_n3A_1182 : vector<32x128xi1>, vector<32x128xf32>
    %broadcast_in_dim3A_1197 = vector.shape_cast %get3A_1082 : vector<32xi32> to vector<32x1xi32>
    %eq3A_1198 = arith.constant 8 : i32
    %eq3A_1199 = vector.broadcast %eq3A_1198 : i32 to vector<32x1xi32>
    %eq3A_1200 = arith.cmpi eq, %broadcast_in_dim3A_1197, %eq3A_1199 : vector<32x1xi32>
    %get3A_1201 = arith.constant 8 : index
    %get3A_1202 = arith.constant 0 : index
    %get3A_1203 = vector.load %arg5[%get3A_1201, %get3A_1202] : memref<16x128xf32, #tpu.memory_space<vmem>>, vector<1x128xf32>
    %get3A_1204 = vector.shape_cast %get3A_1203 : vector<1x128xf32> to vector<128xf32>
    %broadcast_in_dim3A_1205 = vector.shape_cast %get3A_1204 : vector<128xf32> to vector<1x128xf32>
    %broadcast_in_dim3A_1206 = vector.shape_cast %eq3A_1200 : vector<32x1xi1> to vector<32x1xi1>
    %broadcast_in_dim3A_1207 = vector.broadcast %broadcast_in_dim3A_1206 : vector<32x1xi1> to vector<32x128xi1>
    %broadcast_in_dim3A_1208 = vector.shape_cast %broadcast_in_dim3A_1205 : vector<1x128xf32> to vector<1x128xf32>
    %broadcast_in_dim3A_1209 = vector.broadcast %broadcast_in_dim3A_1208 : vector<1x128xf32> to vector<32x128xf32>
    %select_n3A_1210 = arith.select %broadcast_in_dim3A_1207, %broadcast_in_dim3A_1209, %select_n3A_1196 : vector<32x128xi1>, vector<32x128xf32>
    %broadcast_in_dim3A_1211 = vector.shape_cast %get3A_1082 : vector<32xi32> to vector<32x1xi32>
    %eq3A_1212 = arith.constant 9 : i32
    %eq3A_1213 = vector.broadcast %eq3A_1212 : i32 to vector<32x1xi32>
    %eq3A_1214 = arith.cmpi eq, %broadcast_in_dim3A_1211, %eq3A_1213 : vector<32x1xi32>
    %get3A_1215 = arith.constant 9 : index
    %get3A_1216 = arith.constant 0 : index
    %get3A_1217 = vector.load %arg5[%get3A_1215, %get3A_1216] : memref<16x128xf32, #tpu.memory_space<vmem>>, vector<1x128xf32>
    %get3A_1218 = vector.shape_cast %get3A_1217 : vector<1x128xf32> to vector<128xf32>
    %broadcast_in_dim3A_1219 = vector.shape_cast %get3A_1218 : vector<128xf32> to vector<1x128xf32>
    %broadcast_in_dim3A_1220 = vector.shape_cast %eq3A_1214 : vector<32x1xi1> to vector<32x1xi1>
    %broadcast_in_dim3A_1221 = vector.broadcast %broadcast_in_dim3A_1220 : vector<32x1xi1> to vector<32x128xi1>
    %broadcast_in_dim3A_1222 = vector.shape_cast %broadcast_in_dim3A_1219 : vector<1x128xf32> to vector<1x128xf32>
    %broadcast_in_dim3A_1223 = vector.broadcast %broadcast_in_dim3A_1222 : vector<1x128xf32> to vector<32x128xf32>
    %select_n3A_1224 = arith.select %broadcast_in_dim3A_1221, %broadcast_in_dim3A_1223, %select_n3A_1210 : vector<32x128xi1>, vector<32x128xf32>
    %swap3A_1225 = arith.constant 0 : index
    %swap3A_1226 = arith.constant 6 : index
    %swap3A_1227 = arith.constant 0 : index
    %swap3A_1228 = arith.constant 1024 : index
    %swap3A_1229 = vector.load %arg6[%swap3A_1225, %swap3A_1226, %swap3A_1227, %swap3A_1228] : memref<1x8x32x1152xf32, #tpu.memory_space<vmem>>, vector<1x1x32x128xf32>
    %swap3A_1230 = vector.shape_cast %swap3A_1229 : vector<1x1x32x128xf32> to vector<32x128xf32>
    %swap3A_1231 = vector.shape_cast %select_n3A_1224 : vector<32x128xf32> to vector<1x1x32x128xf32>
    tpu.vector_store %arg6[%swap3A_1225, %swap3A_1226, %swap3A_1227, %swap3A_1228], %swap3A_1231 {strides = array<i32>} : memref<1x8x32x1152xf32, #tpu.memory_space<vmem>>, vector<1x1x32x128xf32>,
    %get3A_1232 = arith.constant 0 : index
    %get3A_1233 = arith.constant 7 : index
    %get3A_1234 = arith.constant 0 : index
    %get3A_1235 = vector.load %arg2[%get3A_1232, %get3A_1233, %get3A_1234] : memref<1x8x512xf32, #tpu.memory_space<vmem>>, vector<1x1x512xf32>
    %get3A_1236 = vector.shape_cast %get3A_1235 : vector<1x1x512xf32> to vector<512xf32>
    %broadcast_in_dim3A_1237 = vector.shape_cast %get3A_1236 : vector<512xf32> to vector<1x512xf32>
    %broadcast_in_dim3A_1238 = vector.shape_cast %broadcast_in_dim3A_1237 : vector<1x512xf32> to vector<1x512xf32>
    %broadcast_in_dim3A_1239 = vector.broadcast %broadcast_in_dim3A_1238 : vector<1x512xf32> to vector<32x512xf32>
    %swap3A_1240 = arith.constant 0 : index
    %swap3A_1241 = arith.constant 7 : index
    %swap3A_1242 = arith.constant 0 : index
    %swap3A_1243 = arith.constant 0 : index
    %swap3A_1244 = vector.load %arg6[%swap3A_1240, %swap3A_1241, %swap3A_1242, %swap3A_1243] : memref<1x8x32x1152xf32, #tpu.memory_space<vmem>>, vector<1x1x32x512xf32>
    %swap3A_1245 = vector.shape_cast %swap3A_1244 : vector<1x1x32x512xf32> to vector<32x512xf32>
    %swap3A_1246 = vector.shape_cast %broadcast_in_dim3A_1239 : vector<32x512xf32> to vector<1x1x32x512xf32>
    tpu.vector_store %arg6[%swap3A_1240, %swap3A_1241, %swap3A_1242, %swap3A_1243], %swap3A_1246 {strides = array<i32>} : memref<1x8x32x1152xf32, #tpu.memory_space<vmem>>, vector<1x1x32x512xf32>,
    %swap3A_1247 = arith.constant 0 : index
    %swap3A_1248 = arith.constant 7 : index
    %swap3A_1249 = arith.constant 0 : index
    %swap3A_1250 = arith.constant 512 : index
    %swap3A_1251 = vector.load %arg6[%swap3A_1247, %swap3A_1248, %swap3A_1249, %swap3A_1250] : memref<1x8x32x1152xf32, #tpu.memory_space<vmem>>, vector<1x1x32x512xf32>
    %swap3A_1252 = vector.shape_cast %swap3A_1251 : vector<1x1x32x512xf32> to vector<32x512xf32>
    %swap3A_1253 = vector.shape_cast %get3A_3 : vector<32x512xf32> to vector<1x1x32x512xf32>
    tpu.vector_store %arg6[%swap3A_1247, %swap3A_1248, %swap3A_1249, %swap3A_1250], %swap3A_1253 {strides = array<i32>} : memref<1x8x32x1152xf32, #tpu.memory_space<vmem>>, vector<1x1x32x512xf32>,
    %get3A_1254 = arith.constant 0 : index
    %get3A_1255 = arith.constant 7 : index
    %get3A_1256 = arith.constant 0 : index
    %get3A_1257 = vector.load %arg4[%get3A_1254, %get3A_1255, %get3A_1256] : memref<1x8x32xi32, #tpu.memory_space<vmem>>, vector<1x1x32xi32>
    %get3A_1258 = vector.shape_cast %get3A_1257 : vector<1x1x32xi32> to vector<32xi32>
    %broadcast_in_dim3A_1259 = arith.constant 0.000000e+00 : f32
    %broadcast_in_dim3A_1260 = vector.broadcast %broadcast_in_dim3A_1259 : f32 to vector<32x128xf32>
    %broadcast_in_dim3A_1261 = vector.shape_cast %get3A_1258 : vector<32xi32> to vector<32x1xi32>
    %eq3A_1262 = arith.constant 0 : i32
    %eq3A_1263 = vector.broadcast %eq3A_1262 : i32 to vector<32x1xi32>
    %eq3A_1264 = arith.cmpi eq, %broadcast_in_dim3A_1261, %eq3A_1263 : vector<32x1xi32>
    %get3A_1265 = arith.constant 0 : index
    %get3A_1266 = arith.constant 0 : index
    %get3A_1267 = vector.load %arg5[%get3A_1265, %get3A_1266] : memref<16x128xf32, #tpu.memory_space<vmem>>, vector<1x128xf32>
    %get3A_1268 = vector.shape_cast %get3A_1267 : vector<1x128xf32> to vector<128xf32>
    %broadcast_in_dim3A_1269 = vector.shape_cast %get3A_1268 : vector<128xf32> to vector<1x128xf32>
    %broadcast_in_dim3A_1270 = vector.shape_cast %eq3A_1264 : vector<32x1xi1> to vector<32x1xi1>
    %broadcast_in_dim3A_1271 = vector.broadcast %broadcast_in_dim3A_1270 : vector<32x1xi1> to vector<32x128xi1>
    %broadcast_in_dim3A_1272 = vector.shape_cast %broadcast_in_dim3A_1269 : vector<1x128xf32> to vector<1x128xf32>
    %broadcast_in_dim3A_1273 = vector.broadcast %broadcast_in_dim3A_1272 : vector<1x128xf32> to vector<32x128xf32>
    %select_n3A_1274 = arith.select %broadcast_in_dim3A_1271, %broadcast_in_dim3A_1273, %broadcast_in_dim3A_1260 : vector<32x128xi1>, vector<32x128xf32>
    %broadcast_in_dim3A_1275 = vector.shape_cast %get3A_1258 : vector<32xi32> to vector<32x1xi32>
    %eq3A_1276 = arith.constant 1 : i32
    %eq3A_1277 = vector.broadcast %eq3A_1276 : i32 to vector<32x1xi32>
    %eq3A_1278 = arith.cmpi eq, %broadcast_in_dim3A_1275, %eq3A_1277 : vector<32x1xi32>
    %get3A_1279 = arith.constant 1 : index
    %get3A_1280 = arith.constant 0 : index
    %get3A_1281 = vector.load %arg5[%get3A_1279, %get3A_1280] : memref<16x128xf32, #tpu.memory_space<vmem>>, vector<1x128xf32>
    %get3A_1282 = vector.shape_cast %get3A_1281 : vector<1x128xf32> to vector<128xf32>
    %broadcast_in_dim3A_1283 = vector.shape_cast %get3A_1282 : vector<128xf32> to vector<1x128xf32>
    %broadcast_in_dim3A_1284 = vector.shape_cast %eq3A_1278 : vector<32x1xi1> to vector<32x1xi1>
    %broadcast_in_dim3A_1285 = vector.broadcast %broadcast_in_dim3A_1284 : vector<32x1xi1> to vector<32x128xi1>
    %broadcast_in_dim3A_1286 = vector.shape_cast %broadcast_in_dim3A_1283 : vector<1x128xf32> to vector<1x128xf32>
    %broadcast_in_dim3A_1287 = vector.broadcast %broadcast_in_dim3A_1286 : vector<1x128xf32> to vector<32x128xf32>
    %select_n3A_1288 = arith.select %broadcast_in_dim3A_1285, %broadcast_in_dim3A_1287, %select_n3A_1274 : vector<32x128xi1>, vector<32x128xf32>
    %broadcast_in_dim3A_1289 = vector.shape_cast %get3A_1258 : vector<32xi32> to vector<32x1xi32>
    %eq3A_1290 = arith.constant 2 : i32
    %eq3A_1291 = vector.broadcast %eq3A_1290 : i32 to vector<32x1xi32>
    %eq3A_1292 = arith.cmpi eq, %broadcast_in_dim3A_1289, %eq3A_1291 : vector<32x1xi32>
    %get3A_1293 = arith.constant 2 : index
    %get3A_1294 = arith.constant 0 : index
    %get3A_1295 = vector.load %arg5[%get3A_1293, %get3A_1294] : memref<16x128xf32, #tpu.memory_space<vmem>>, vector<1x128xf32>
    %get3A_1296 = vector.shape_cast %get3A_1295 : vector<1x128xf32> to vector<128xf32>
    %broadcast_in_dim3A_1297 = vector.shape_cast %get3A_1296 : vector<128xf32> to vector<1x128xf32>
    %broadcast_in_dim3A_1298 = vector.shape_cast %eq3A_1292 : vector<32x1xi1> to vector<32x1xi1>
    %broadcast_in_dim3A_1299 = vector.broadcast %broadcast_in_dim3A_1298 : vector<32x1xi1> to vector<32x128xi1>
    %broadcast_in_dim3A_1300 = vector.shape_cast %broadcast_in_dim3A_1297 : vector<1x128xf32> to vector<1x128xf32>
    %broadcast_in_dim3A_1301 = vector.broadcast %broadcast_in_dim3A_1300 : vector<1x128xf32> to vector<32x128xf32>
    %select_n3A_1302 = arith.select %broadcast_in_dim3A_1299, %broadcast_in_dim3A_1301, %select_n3A_1288 : vector<32x128xi1>, vector<32x128xf32>
    %broadcast_in_dim3A_1303 = vector.shape_cast %get3A_1258 : vector<32xi32> to vector<32x1xi32>
    %eq3A_1304 = arith.constant 3 : i32
    %eq3A_1305 = vector.broadcast %eq3A_1304 : i32 to vector<32x1xi32>
    %eq3A_1306 = arith.cmpi eq, %broadcast_in_dim3A_1303, %eq3A_1305 : vector<32x1xi32>
    %get3A_1307 = arith.constant 3 : index
    %get3A_1308 = arith.constant 0 : index
    %get3A_1309 = vector.load %arg5[%get3A_1307, %get3A_1308] : memref<16x128xf32, #tpu.memory_space<vmem>>, vector<1x128xf32>
    %get3A_1310 = vector.shape_cast %get3A_1309 : vector<1x128xf32> to vector<128xf32>
    %broadcast_in_dim3A_1311 = vector.shape_cast %get3A_1310 : vector<128xf32> to vector<1x128xf32>
    %broadcast_in_dim3A_1312 = vector.shape_cast %eq3A_1306 : vector<32x1xi1> to vector<32x1xi1>
    %broadcast_in_dim3A_1313 = vector.broadcast %broadcast_in_dim3A_1312 : vector<32x1xi1> to vector<32x128xi1>
    %broadcast_in_dim3A_1314 = vector.shape_cast %broadcast_in_dim3A_1311 : vector<1x128xf32> to vector<1x128xf32>
    %broadcast_in_dim3A_1315 = vector.broadcast %broadcast_in_dim3A_1314 : vector<1x128xf32> to vector<32x128xf32>
    %select_n3A_1316 = arith.select %broadcast_in_dim3A_1313, %broadcast_in_dim3A_1315, %select_n3A_1302 : vector<32x128xi1>, vector<32x128xf32>
    %broadcast_in_dim3A_1317 = vector.shape_cast %get3A_1258 : vector<32xi32> to vector<32x1xi32>
    %eq3A_1318 = arith.constant 4 : i32
    %eq3A_1319 = vector.broadcast %eq3A_1318 : i32 to vector<32x1xi32>
    %eq3A_1320 = arith.cmpi eq, %broadcast_in_dim3A_1317, %eq3A_1319 : vector<32x1xi32>
    %get3A_1321 = arith.constant 4 : index
    %get3A_1322 = arith.constant 0 : index
    %get3A_1323 = vector.load %arg5[%get3A_1321, %get3A_1322] : memref<16x128xf32, #tpu.memory_space<vmem>>, vector<1x128xf32>
    %get3A_1324 = vector.shape_cast %get3A_1323 : vector<1x128xf32> to vector<128xf32>
    %broadcast_in_dim3A_1325 = vector.shape_cast %get3A_1324 : vector<128xf32> to vector<1x128xf32>
    %broadcast_in_dim3A_1326 = vector.shape_cast %eq3A_1320 : vector<32x1xi1> to vector<32x1xi1>
    %broadcast_in_dim3A_1327 = vector.broadcast %broadcast_in_dim3A_1326 : vector<32x1xi1> to vector<32x128xi1>
    %broadcast_in_dim3A_1328 = vector.shape_cast %broadcast_in_dim3A_1325 : vector<1x128xf32> to vector<1x128xf32>
    %broadcast_in_dim3A_1329 = vector.broadcast %broadcast_in_dim3A_1328 : vector<1x128xf32> to vector<32x128xf32>
    %select_n3A_1330 = arith.select %broadcast_in_dim3A_1327, %broadcast_in_dim3A_1329, %select_n3A_1316 : vector<32x128xi1>, vector<32x128xf32>
    %broadcast_in_dim3A_1331 = vector.shape_cast %get3A_1258 : vector<32xi32> to vector<32x1xi32>
    %eq3A_1332 = arith.constant 5 : i32
    %eq3A_1333 = vector.broadcast %eq3A_1332 : i32 to vector<32x1xi32>
    %eq3A_1334 = arith.cmpi eq, %broadcast_in_dim3A_1331, %eq3A_1333 : vector<32x1xi32>
    %get3A_1335 = arith.constant 5 : index
    %get3A_1336 = arith.constant 0 : index
    %get3A_1337 = vector.load %arg5[%get3A_1335, %get3A_1336] : memref<16x128xf32, #tpu.memory_space<vmem>>, vector<1x128xf32>
    %get3A_1338 = vector.shape_cast %get3A_1337 : vector<1x128xf32> to vector<128xf32>
    %broadcast_in_dim3A_1339 = vector.shape_cast %get3A_1338 : vector<128xf32> to vector<1x128xf32>
    %broadcast_in_dim3A_1340 = vector.shape_cast %eq3A_1334 : vector<32x1xi1> to vector<32x1xi1>
    %broadcast_in_dim3A_1341 = vector.broadcast %broadcast_in_dim3A_1340 : vector<32x1xi1> to vector<32x128xi1>
    %broadcast_in_dim3A_1342 = vector.shape_cast %broadcast_in_dim3A_1339 : vector<1x128xf32> to vector<1x128xf32>
    %broadcast_in_dim3A_1343 = vector.broadcast %broadcast_in_dim3A_1342 : vector<1x128xf32> to vector<32x128xf32>
    %select_n3A_1344 = arith.select %broadcast_in_dim3A_1341, %broadcast_in_dim3A_1343, %select_n3A_1330 : vector<32x128xi1>, vector<32x128xf32>
    %broadcast_in_dim3A_1345 = vector.shape_cast %get3A_1258 : vector<32xi32> to vector<32x1xi32>
    %eq3A_1346 = arith.constant 6 : i32
    %eq3A_1347 = vector.broadcast %eq3A_1346 : i32 to vector<32x1xi32>
    %eq3A_1348 = arith.cmpi eq, %broadcast_in_dim3A_1345, %eq3A_1347 : vector<32x1xi32>
    %get3A_1349 = arith.constant 6 : index
    %get3A_1350 = arith.constant 0 : index
    %get3A_1351 = vector.load %arg5[%get3A_1349, %get3A_1350] : memref<16x128xf32, #tpu.memory_space<vmem>>, vector<1x128xf32>
    %get3A_1352 = vector.shape_cast %get3A_1351 : vector<1x128xf32> to vector<128xf32>
    %broadcast_in_dim3A_1353 = vector.shape_cast %get3A_1352 : vector<128xf32> to vector<1x128xf32>
    %broadcast_in_dim3A_1354 = vector.shape_cast %eq3A_1348 : vector<32x1xi1> to vector<32x1xi1>
    %broadcast_in_dim3A_1355 = vector.broadcast %broadcast_in_dim3A_1354 : vector<32x1xi1> to vector<32x128xi1>
    %broadcast_in_dim3A_1356 = vector.shape_cast %broadcast_in_dim3A_1353 : vector<1x128xf32> to vector<1x128xf32>
    %broadcast_in_dim3A_1357 = vector.broadcast %broadcast_in_dim3A_1356 : vector<1x128xf32> to vector<32x128xf32>
    %select_n3A_1358 = arith.select %broadcast_in_dim3A_1355, %broadcast_in_dim3A_1357, %select_n3A_1344 : vector<32x128xi1>, vector<32x128xf32>
    %broadcast_in_dim3A_1359 = vector.shape_cast %get3A_1258 : vector<32xi32> to vector<32x1xi32>
    %eq3A_1360 = arith.constant 7 : i32
    %eq3A_1361 = vector.broadcast %eq3A_1360 : i32 to vector<32x1xi32>
    %eq3A_1362 = arith.cmpi eq, %broadcast_in_dim3A_1359, %eq3A_1361 : vector<32x1xi32>
    %get3A_1363 = arith.constant 7 : index
    %get3A_1364 = arith.constant 0 : index
    %get3A_1365 = vector.load %arg5[%get3A_1363, %get3A_1364] : memref<16x128xf32, #tpu.memory_space<vmem>>, vector<1x128xf32>
    %get3A_1366 = vector.shape_cast %get3A_1365 : vector<1x128xf32> to vector<128xf32>
    %broadcast_in_dim3A_1367 = vector.shape_cast %get3A_1366 : vector<128xf32> to vector<1x128xf32>
    %broadcast_in_dim3A_1368 = vector.shape_cast %eq3A_1362 : vector<32x1xi1> to vector<32x1xi1>
    %broadcast_in_dim3A_1369 = vector.broadcast %broadcast_in_dim3A_1368 : vector<32x1xi1> to vector<32x128xi1>
    %broadcast_in_dim3A_1370 = vector.shape_cast %broadcast_in_dim3A_1367 : vector<1x128xf32> to vector<1x128xf32>
    %broadcast_in_dim3A_1371 = vector.broadcast %broadcast_in_dim3A_1370 : vector<1x128xf32> to vector<32x128xf32>
    %select_n3A_1372 = arith.select %broadcast_in_dim3A_1369, %broadcast_in_dim3A_1371, %select_n3A_1358 : vector<32x128xi1>, vector<32x128xf32>
    %broadcast_in_dim3A_1373 = vector.shape_cast %get3A_1258 : vector<32xi32> to vector<32x1xi32>
    %eq3A_1374 = arith.constant 8 : i32
    %eq3A_1375 = vector.broadcast %eq3A_1374 : i32 to vector<32x1xi32>
    %eq3A_1376 = arith.cmpi eq, %broadcast_in_dim3A_1373, %eq3A_1375 : vector<32x1xi32>
    %get3A_1377 = arith.constant 8 : index
    %get3A_1378 = arith.constant 0 : index
    %get3A_1379 = vector.load %arg5[%get3A_1377, %get3A_1378] : memref<16x128xf32, #tpu.memory_space<vmem>>, vector<1x128xf32>
    %get3A_1380 = vector.shape_cast %get3A_1379 : vector<1x128xf32> to vector<128xf32>
    %broadcast_in_dim3A_1381 = vector.shape_cast %get3A_1380 : vector<128xf32> to vector<1x128xf32>
    %broadcast_in_dim3A_1382 = vector.shape_cast %eq3A_1376 : vector<32x1xi1> to vector<32x1xi1>
    %broadcast_in_dim3A_1383 = vector.broadcast %broadcast_in_dim3A_1382 : vector<32x1xi1> to vector<32x128xi1>
    %broadcast_in_dim3A_1384 = vector.shape_cast %broadcast_in_dim3A_1381 : vector<1x128xf32> to vector<1x128xf32>
    %broadcast_in_dim3A_1385 = vector.broadcast %broadcast_in_dim3A_1384 : vector<1x128xf32> to vector<32x128xf32>
    %select_n3A_1386 = arith.select %broadcast_in_dim3A_1383, %broadcast_in_dim3A_1385, %select_n3A_1372 : vector<32x128xi1>, vector<32x128xf32>
    %broadcast_in_dim3A_1387 = vector.shape_cast %get3A_1258 : vector<32xi32> to vector<32x1xi32>
    %eq3A_1388 = arith.constant 9 : i32
    %eq3A_1389 = vector.broadcast %eq3A_1388 : i32 to vector<32x1xi32>
    %eq3A_1390 = arith.cmpi eq, %broadcast_in_dim3A_1387, %eq3A_1389 : vector<32x1xi32>
    %get3A_1391 = arith.constant 9 : index
    %get3A_1392 = arith.constant 0 : index
    %get3A_1393 = vector.load %arg5[%get3A_1391, %get3A_1392] : memref<16x128xf32, #tpu.memory_space<vmem>>, vector<1x128xf32>
    %get3A_1394 = vector.shape_cast %get3A_1393 : vector<1x128xf32> to vector<128xf32>
    %broadcast_in_dim3A_1395 = vector.shape_cast %get3A_1394 : vector<128xf32> to vector<1x128xf32>
    %broadcast_in_dim3A_1396 = vector.shape_cast %eq3A_1390 : vector<32x1xi1> to vector<32x1xi1>
    %broadcast_in_dim3A_1397 = vector.broadcast %broadcast_in_dim3A_1396 : vector<32x1xi1> to vector<32x128xi1>
    %broadcast_in_dim3A_1398 = vector.shape_cast %broadcast_in_dim3A_1395 : vector<1x128xf32> to vector<1x128xf32>
    %broadcast_in_dim3A_1399 = vector.broadcast %broadcast_in_dim3A_1398 : vector<1x128xf32> to vector<32x128xf32>
    %select_n3A_1400 = arith.select %broadcast_in_dim3A_1397, %broadcast_in_dim3A_1399, %select_n3A_1386 : vector<32x128xi1>, vector<32x128xf32>
    %swap3A_1401 = arith.constant 0 : index
    %swap3A_1402 = arith.constant 7 : index
    %swap3A_1403 = arith.constant 0 : index
    %swap3A_1404 = arith.constant 1024 : index
    %swap3A_1405 = vector.load %arg6[%swap3A_1401, %swap3A_1402, %swap3A_1403, %swap3A_1404] : memref<1x8x32x1152xf32, #tpu.memory_space<vmem>>, vector<1x1x32x128xf32>
    %swap3A_1406 = vector.shape_cast %swap3A_1405 : vector<1x1x32x128xf32> to vector<32x128xf32>
    %swap3A_1407 = vector.shape_cast %select_n3A_1400 : vector<32x128xf32> to vector<1x1x32x128xf32>
    tpu.vector_store %arg6[%swap3A_1401, %swap3A_1402, %swap3A_1403, %swap3A_1404], %swap3A_1407 {strides = array<i32>} : memref<1x8x32x1152xf32, #tpu.memory_space<vmem>>, vector<1x1x32x128xf32>,
    return
  }
  func.func @transform_0(%arg0: i32, %arg1: i32) -> (i32, i32, i32) {
    %c0_i32 = arith.constant 0 : i32
    %c0_i32_0 = arith.constant 0 : i32
    return %arg0, %arg1, %c0_i32 : i32, i32, i32
  }
  func.func @transform_1(%arg0: i32, %arg1: i32) -> (i32, i32, i32) {
    %c0_i32 = arith.constant 0 : i32
    %c0_i32_0 = arith.constant 0 : i32
    %c0_i32_1 = arith.constant 0 : i32
    return %arg0, %c0_i32, %c0_i32_0 : i32, i32, i32
  }
  func.func @transform_2(%arg0: i32, %arg1: i32) -> (i32, i32, i32) {
    %c0_i32 = arith.constant 0 : i32
    %c0_i32_0 = arith.constant 0 : i32
    return %arg0, %arg1, %c0_i32 : i32, i32, i32
  }
  func.func @transform_3(%arg0: i32, %arg1: i32) -> (i32, i32) {
    %c0_i32 = arith.constant 0 : i32
    %c0_i32_0 = arith.constant 0 : i32
    %c0_i32_1 = arith.constant 0 : i32
    return %c0_i32, %c0_i32_0 : i32, i32
  }
  func.func @transform_4(%arg0: i32, %arg1: i32) -> (i32, i32, i32, i32) {
    %c0_i32 = arith.constant 0 : i32
    %c0_i32_0 = arith.constant 0 : i32
    %c0_i32_1 = arith.constant 0 : i32
    return %arg0, %arg1, %c0_i32, %c0_i32_0 : i32, i32, i32, i32
  }
}

</mosaic_0001>

<sc_bundles>
// kernel: kernel.4.cloned.1.call-start
scs
__scs_entry_jumppad:
0x0: {  	(pc) =	sbr.rel $0x88, $3  }
0x1: {  	(tag) =	ssettag $0x0;
	lr =	simm.s32 $0x1  }
0x2: {  	[smem:$0x3F9C] =	sst lr;
	_ =	strace $0xD0000000  }
0x3: {  	_ = 	snop  }
0x4: {  	_ = 	snop  }
0x5: {  	_ = 	snop  }
0x6: {  	_ = 	snop  }
0x7: {  	_ = 	snop  }
__scs_overlays_trampoline_lowered:
0x8: {  	[smem:$0x3FAB] =	sst s0  }
0x9: {  	[smem:$0x3FAC] =	sst s1  }
0xa: {  	[smem:$0x3FAD] =	sst s2  }
0xb: {  	[smem:$0x3FAE] =	sst s3  }
0xc: {  	[smem:$0x3FAF] =	sst s4  }
0xd: {  	[smem:$0x3FB0] =	sst s5  }
0xe: {  	[smem:$0x3FB1] =	sst s6  }
0xf: {  	[smem:$0x3FB2] =	sst s7  }
0x10: {  	[smem:$0x3FB3] =	sst s8  }
0x11: {  	[smem:$0x3FB4] =	sst s9;
	s0 =	simm.s32 @!p0 $0x0  }
0x12: {  	s1 =	sld [smem:$0x3F9A];
	s0 =	simm.s32 @p0 $0x1  }
0x13: {  	[smem:$0x3FB5] =	sst s0;
	s0 =	simm.s32 @!p1 $0x0  }
0x14: {  	s2 =	sld [smem:$0x3F99];
	s0 =	simm.s32 @p1 $0x1  }
0x15: {  	[smem:$0x3FB6] =	sst s0;
	s0 =	simm.s32 @!p2 $0x0  }
0x16: {  	s3 =	sld [smem:$0x3FDB];
	s0 =	simm.s32 @p2 $0x1  }
0x17: {  	s4 =	simm.s32 $0x1BF5;
	[smem:$0x3FB8] =	sst s0  }
0x18: {  	s0 =	sld [smem:$0x3F9B];
	_ =	swait.ge [sflag:s4], $0x0  }
0x19: {  	s7 =	sld [smem:$0x3F9C]  }
0x1a: {  	s8 =	sadd.s32 $0xFFFFE003, lr  }
0x1b: {  	s9 =	sadd.s32 $0xFFFFFEF7, lr;
	s5 =	simm.s32 $0xFFFFFFFF;
	p2 =	slt.u32 s8, $0xFFFFF086  }
0x1c: {  	p1 =	slt.u32 s9, $0xF7A;
	s5 =	simm.s32 @!p2 $0x0  }
0x1d: {  	s5 =	simm.s32 @p1 $0x1;
	p0 =	seq.s32 s7, s2  }
0x1e: {  	s7 =	smul.u32 @!p0 $0xF7A, s2;
	p2 =	seq.s32 @!p0 s5, $0x0  }
0x1f: {  	s9 =	smul.u32 $0xF7A, s1;
	s8 =	simm.s32 @!p0 $0x1BF5;
	p2 =	por !p2, p0  }
0x20: {  	[sflag:s8] =	ssyncset.s32 @!p0 $0xFFFFF086;
	s6 =	sadd.s32 @!p0 s3, s7;
	s7 =	simm.s32 @!p0 $0x108  }
0x21: {  	s3 =	sadd.s32 s3, s9;
	s6 =	sadd.s32 @!p0 $0x88, s6;
	s7 =	simm.s32 @p2 $0x1082  }
0x22: {  	[simem:s7], [sflag:s8] =	dma.local @!p0 [hbm:s6], $0xF7A  }
0x23: {  	s9 =	sor.u32 $0xD0000000, s2;
	s6 =	simm.s32 $0x108;
	_ =	swait.ge @!p0 [sflag:s8], $0x0  }
0x24: {  	s3 =	sadd.s32 $0x88, s3;
	s6 =	simm.s32 @!p1 $0x1082;
	[sflag:s4] =	ssyncset.s32 $0xFFFFF086  }
0x25: {  	[simem:s6], [sflag:s4] =	dma.local [hbm:s3], $0xF7A  }
0x26: {  	[smem:$0x3F9C] =	sst s1;
	(tag) =	ssettag s2;
	_ =	strace s9  }
0x27: {  	s1 =	sld [smem:$0x3FAC]  }
0x28: {  	s2 =	sld [smem:$0x3FAD]  }
0x29: {  	s4 =	sld [smem:$0x3FAF]  }
0x2a: {  	p0 =	seq.s32 s5, $0x0;
	s5 =	sld [smem:$0x3FB0]  }
0x2b: {  	s6 =	sld [smem:$0x3FB1]  }
0x2c: {  	s7 =	sld [smem:$0x3FB2]  }
0x2d: {  	s3 =	simm.s32 $0x108;
	s8 =	sld [smem:$0x3FB3]  }
0x2e: {  	s3 =	simm.s32 @!p0 $0x1082;
	s9 =	sld [smem:$0x3FB4]  }
0x2f: {  	lr =	sadd.s32 s0, s3;
	s0 =	sld [smem:$0x3FAB]  }
0x30: {  	s3 =	sld [smem:$0x3FAE]  }
0x31: {  	[smem:$0x3FB7] =	sst s10  }
0x32: {  	s10 =	sld [smem:$0x3FB5];
	_ =	sdelay $0x3  }
0x33: {  	p0 =	seq.s32 s10, $0x1;
	s10 =	sld [smem:$0x3FB7];
	_ =	sdelay $0x3  }
0x34: {  	[smem:$0x3FB7] =	sst s10  }
0x35: {  	s10 =	sld [smem:$0x3FB6];
	_ =	sdelay $0x3  }
0x36: {  	p1 =	seq.s32 s10, $0x1;
	s10 =	sld [smem:$0x3FB7];
	_ =	sdelay $0x3  }
0x37: {  	[smem:$0x3FB7] =	sst s10  }
0x38: {  	s10 =	sld [smem:$0x3FB8]  }
0x39: {  	_ = 	snop;
	(pc) =	sbr.ind lr, $3  }
0x3a: {  	_ = 	snop  }
0x3b: {  	_ = 	snop  }
0x3c: {  	p2 =	seq.s32 s10, $0x1;
	s10 =	sld [smem:$0x3FB7]  }
0x3d: {  	_ =	shalt  }
0x3e: {  	_ =	shalt  }
0x3f: {  	_ =	shalt  }
0x40: {  	_ =	shalt  }
0x41: {  	_ =	shalt  }
0x42: {  	_ =	shalt  }
0x43: {  	_ =	shalt  }
0x44: {  	_ =	shalt  }
0x45: {  	_ =	shalt  }
0x46: {  	_ =	shalt  }
0x47: {  	_ =	shalt  }
0x48: {  	_ =	shalt  }
0x49: {  	_ =	shalt  }
0x4a: {  	_ =	shalt  }
0x4b: {  	_ =	shalt  }
0x4c: {  	_ =	shalt  }
0x4d: {  	_ =	shalt  }
0x4e: {  	_ =	shalt  }
0x4f: {  	_ =	shalt  }
0x50: {  	_ =	shalt  }
0x51: {  	_ =	shalt  }
0x52: {  	_ =	shalt  }
0x53: {  	_ =	shalt  }
0x54: {  	_ =	shalt  }
0x55: {  	_ =	shalt  }
0x56: {  	_ =	shalt  }
0x57: {  	_ =	shalt  }
0x58: {  	_ =	shalt  }
0x59: {  	_ =	shalt  }
0x5a: {  	_ =	shalt  }
0x5b: {  	_ =	shalt  }
0x5c: {  	_ =	shalt  }
0x5d: {  	_ =	shalt  }
0x5e: {  	_ =	shalt  }
0x5f: {  	_ =	shalt  }
0x60: {  	_ =	shalt  }
0x61: {  	_ =	shalt  }
0x62: {  	_ =	shalt  }
0x63: {  	_ =	shalt  }
0x64: {  	_ =	shalt  }
0x65: {  	_ =	shalt  }
0x66: {  	_ =	shalt  }
0x67: {  	_ =	shalt  }
0x68: {  	_ =	shalt  }
0x69: {  	_ =	shalt  }
0x6a: {  	_ =	shalt  }
0x6b: {  	_ =	shalt  }
0x6c: {  	_ =	shalt  }
0x6d: {  	_ =	shalt  }
0x6e: {  	_ =	shalt  }
0x6f: {  	_ =	shalt  }
0x70: {  	_ =	shalt  }
0x71: {  	_ =	shalt  }
0x72: {  	_ =	shalt  }
0x73: {  	_ =	shalt  }
0x74: {  	_ =	shalt  }
0x75: {  	_ =	shalt  }
0x76: {  	_ =	shalt  }
0x77: {  	_ =	shalt  }
0x78: {  	_ =	shalt  }
0x79: {  	_ =	shalt  }
0x7a: {  	_ =	shalt  }
0x7b: {  	_ =	shalt  }
0x7c: {  	_ =	shalt  }
0x7d: {  	_ =	shalt  }
0x7e: {  	_ =	shalt  }
0x7f: {  	_ =	shalt  }
0x80: {  	_ =	shalt  }
0x81: {  	_ =	shalt  }
0x82: {  	_ =	shalt  }
0x83: {  	_ =	shalt  }
0x84: {  	_ =	shalt  }
0x85: {  	_ =	shalt  }
0x86: {  	_ =	shalt  }
0x87: {  	_ =	shalt  }
.Lfunc_end0:
.L_simem_size_0:
called_computation_lowered:
.L_overlay_start_0:
0x88: {  	s2 =	sld [smem:$0x3FD9]  }
0x89: {  	s3 =	sld [smem:$0x3FFE];
	_ =	sdelay $0x1  }
0x8a: {  	s1 =	srdreg.scid  }
0x8b: {  	s0 =	sand.u32 $0x1, s1  }
0x8c: {  	s17 =	sshll.u32 s0, $0xA;
	s2 =	sadd.s32 s3, s2  }
0x8d: {  	s2 =	sadd.s32 s2, s17  }
0x8e: {  	[smem:$0x3FC3] =	sst s2  }
0x8f: {  	_ = 	snop  }
0x90: {  	s2 =	sld [smem:$0x3FC9]  }
0x91: {  	s18 =	sld [smem:$0x3FD0];
	(tm) =	ssettm $0x1  }
0x92: {  	s4 =	sld [smem:$0x3FFB];
	_ =	sdelay $0x3  }
0x93: {  	_ =	strace s4  }
0x94: {  	s4 =	sld [smem:$0x3FFC];
	_ =	sdelay $0x3  }
0x95: {  	_ =	strace s4  }
0x96: {  	s4 =	sld [smem:$0x3FFD];
	_ =	sdelay $0x3  }
0x97: {  	_ =	strace s4  }
0x98: {  	_ =	strace $0x8FFFFFFF  }
0x99: {  	s19 =	sld [smem:$0x3FDB];
	_ =	sdelay $0x1  }
0x9a: {  	s5 =	simm.s32 $_scs_section_size  }
0x9b: {  	s6 =	simm.s32 $_size__tile_overlayer_lowered;
	s7 =	simm.s32 $_tile_overlayer_lowered  }
0x9c: {  	s22 =	simm.s32 $0x1BFF;
	s21 =	sshll.u32 s7, $0x1;
	s4 =	sadd.s32 s5, s19  }
0x9d: {  	s8 =	simm.s32 $0x0;
	s20 =	sshll.u32 s6, $0x1;
	s6 =	sadd.s32 s21, s4  }
0x9e: {  	[timem:s8], [sflag:s22] =	dma.local [hbm:s6], s20  }
0x9f: {  	_ =	swait.ge [sflag:s22], s20  }
0xa0: {  	s5 =	ssub.s32 $0x0, s20;
	[sflag:s22] =	ssyncset.done $0x0  }
0xa1: {  	[sflag:s22] =	ssyncadd.s32 s5;
	_ =	sdelay $0x1  }
0xa2: {  	s23 =	simm.s32 $0x1B8B  }
0xa3: {  	_ =	swait.ge [sflag:s23], $0x1  }
0xa4: {  	[sflag:s23] =	ssyncset.done $0x0  }
0xa5: {  	s25 =	simm.s32 $0x1B8E;
	s24 =	sld [smem:$0x3FFE];
	[sflag:s23] =	ssyncadd.s32 $0xFFFFFFFF  }
0xa6: {  	s26 =	simm.s32 $execute0_lowered;
	[smem:$0x3FD2] =	sst s25  }
0xa7: {  	s6 =	sshll.u32 s26, $0x1;
	_ =	strace $0x80000046;
	[dreg:$0x1] =	wrdreg $0xFFFFFFFF  }
0xa8: {  	s28 =	simm.s32 $_size_execute0_lowered;
	s4 =	sadd.s32 s4, s6;
	[dreg:$0x0] =	wrdreg $0x0  }
0xa9: {  	s6 =	sshll.u32 s28, $0x1;
	[dreg:$0x2] =	wrdreg s4  }
0xaa: {  	[dreg:$0x3] =	wrdreg s6  }
0xab: {  	[dreg:$0x4] =	wrdreg $0xC0  }
0xac: {  	_ =	task [dreg:s8], $0x5FFFF  }
0xad: {  	[dreg:$0x1] =	wrdreg $0xFFFFFFFF  }
0xae: {  	[dreg:$0x0] =	wrdreg $0x60  }
0xaf: {  	[dreg:$0x2] =	wrdreg s2  }
0xb0: {  	[dreg:$0x3] =	wrdreg s24  }
0xb1: {  	[dreg:$0x4] =	wrdreg s18  }
0xb2: {  	[dreg:$0x5] =	wrdreg $0x9  }
0xb3: {  	_ =	task.clear_ibuf [dreg:s8], $0x6FFFF;
	_ =	strace $0x90000046  }
0xb4: {  	s29 =	simm.s32 $0x9;
	_ =	strace $0x80000048  }
0xb5: {  	_ =	swait.ge [sflag:s29], $0x1  }
0xb6: {  	[sflag:s29] =	ssyncadd.s32 $0xFFFFFFFF  }
0xb7: {  	_ =	strace $0x90000048  }
0xb8: {  	_ =	sfence  }
0xb9: {  	s30 =	sld [smem:$0x0];
	_ =	sdelay $0x2  }
0xba: {  	s31 =	sshll.u32 s1, $0xD;
	s1 =	sshrl.u32 s1, $0x2  }
0xbb: {  	s3 =	sand.u32 $0x4000, s31;
	s1 =	sadd.s32 s1, s30  }
0xbc: {  	s0 =	sor.u32 s3, s0;
	s1 =	sshll.u32 s1, $0x11  }
0xbd: {  	s0 =	sor.u32 s1, s0  }
0xbe: {  	s0 =	sadd.s32 $0x8F2B, s0  }
0xbf: {  	[sflag:s0] =	ssyncadd.remote.s32 $0x1  }
0xc0: {  	_ =	sfence.sel $0xFFFF  }
0xc1: {  	[dreg:$0x0] =	wrdreg $0xFFFFFFFF;
	(pc) =	sbr.abs _section_cstart, $3  }
0xc2: {  	[dreg:$0x1] =	wrdreg $0xFFFFFFFF  }
0xc3: {  	_ =	task.clear_ibuf [dreg:s8], $0x2FFFF;
	_ =	strace $0x9FFFFFFF  }
0xc4: {  	(tm) =	ssettm $0x7FFFFFFF  }
0xc5: {  	_ =	shalt  }
tec
execute0_lowered:
.L_overlay_start_1:
0x0: {  	(tag) =	ssettag $0x1  }
0x1: {  	s8 =	rddreg [dreg:$0x1]  }
0x2: {  	s1 =	srdreg.scid;
	s10 =	rddreg [dreg:$0x2]  }
0x3: {  	s0 =	stileid.u32;
	s4 =	simm.s32 $0x1;
	s2 =	rddreg [dreg:$0x3]  }
0x4: {  	s3 =	simm.s32 $0x0;
	s6 =	simm.s32 $0x1;
	s17 =	simm.s32 $0x2280  }
0x5: {  	s18 =	simm.s32 $0x2A80;
	s19 =	simm.s32 $0x3280;
	s20 =	simm.s32 $0x3A80  }
0x6: {  	s21 =	simm.s32 $0x4280;
	s22 =	simm.s32 $0x4A80;
	s7 =	sand.u32 $0x1, s1  }
0x7: {  	s24 =	simm.s32 $0x5A80;
	s25 =	simm.s32 $0x2200;
	s1 =	sor.u32 s7, s0  }
0x8: {  	s26 =	simm.s32 $0x6280;
	p1 =	seq.s32 s7, $0x1;
	p0 =	seq.s32 s1, $0x0  }
0x9: {  	s28 =	simm.s32 $0x2;
	s29 =	simm.s32 $0x0;
	p0 =	por !p0, !p1  }
0xa: {  	[smem:$0x7FF] =	sst s3;
	s5 =	sadd.s32 $0x1200, s8;
	p0 =	por !p0, !p0  }
0xb: {  	s15 =	sshll.u32 s7, $0x9;
	s1 =	rddreg [dreg:$0x0];
	s4 =	simm.s32 @!p0 $0x0  }
0xc: {  	_ =	strace $0x80000047;
	s9 =	ssub.s32 s0, s4;
	s4 =	sshll.u32 s7, $0x4  }
0xd: {  	s7 =	ssub.s32 $0x2, s7;
	s11 =	sshll.u32 s9, $0x5;
	s14 =	sshll.u32 s9, $0xA  }
0xe: {  	s31 =	sshrl.u32 s7, $0x1;
	s23 =	sshll.u32 s9, $0xC;
	s9 =	sadd.s32 $0x100, s1  }
0xf: {  	s12 =	sor.u32 s4, s11;
	s11 =	sshrl.u32 s11, $0x3;
	s14 =	sor.u32 s15, s14  }
0x10: {  	s16 =	ssub.s32 s7, s31;
	s15 =	simm.s32 $0x3;
	v0 =	vmov s23;
	s23 =	simm.s32 $0x5280  }
0x11: {  	s13 =	sshrl.u32 s12, $0x3;
	s11 =	sadd.s32 s11, s8;
	s12 =	sshll.u32 s12, $0x6  }
0x12: {  	s14 =	sshrl.u32 s14, $0x3;
	s13 =	sadd.s32 s13, s8;
	s30 =	sadd.s32 s12, s8  }
0x13: {  	v3 =	vlaneseq.u32;
	s14 =	sadd.s32 s14, s8;
	s8 =	sadd.s32 $0x1000, s11;
	s10 =	sadd.s32 s10, s12  }
0x14: {  	vm0 =	vmmov $0xffff;
	v4 =	vimm.s32 $0x0;
	v2 =	vshrl.u32 v3, $0x3;
	s7 =	sadd.s32 $0xE00, s13;
	s11 =	sadd.s32 $0x1E00, s30;
	s12 =	sadd.s32 $0x1600, s14  }
0x15: {  	v1 =	vand.u32 $0x7, v3;
	v3 =	vor.u32 $0x8, v3;
	v2 =	vmul.u32 $0x8, v2;
	s13 =	smax.u32 s16, $0x1;
	s14 =	simm.s32 $0x2000;
	s16 =	simm.s32 $0x2080  }
.LBB2_1:
0x16: {  	[tilespmem:s14], [sflag:$0x3] =	stream.linear.gather [hbm4b:s7+s3], $0x10, $0x38;
	[tilespmem:$0x6480] =	vst v63  }
0x17: {  	_ =	swait.ge [sflag:s15], $0x10  }
0x18: {  	[sflag:s15] =	ssyncset.done $0x0  }
0x19: {  	[sflag:s15] =	ssyncadd.s32 $0xFFFFFFF0  }
0x1a: {  	[tilespmem:s16], [sflag:$0x3] =	stream.linear.gather [hbm4b:s8+s3], $0x20, $0x38;
	[tilespmem:$0x6480] =	vst v63  }
0x1b: {  	_ =	swait.ge [sflag:s15], $0x20  }
0x1c: {  	[sflag:s15] =	ssyncset.done $0x0  }
0x1d: {  	[sflag:s15] =	ssyncadd.s32 $0xFFFFFFE0  }
0x1e: {  	v5 =	vld [tilespmem:$0x2000];
	_ =	sdelay $0x4  }
0x1f: {  	v6 =	vadd.s32 v0, v5  }
0x20: {  	[tilespmem:$0x2100] =	vst v6  }
0x21: {  	v6 =	vld [tilespmem:$0x2100];
	_ =	sdelay $0x4  }
0x22: {  	v7 =	vshll.u32 v6, $0x2  }
0x23: {  	v6 =	vand.u32 $0x7, v6;
	v7 =	vand.u32 $0xFFFFFFE0, v7  }
0x24: {  	v8 =	vld [tilespmem:$0x2080];
	v6 =	vor.u32 v6, v7  }
0x25: {  	v7 =	vld [tilespmem:$0x2090];
	v9 =	vperm.xlane v6, v1;
	_ =	sdelay $0x1  }
0x26: {  	v9 =	vadd.s32 v2, v9;
	_ =	sdelay $0x1  }
0x27: {  	v10 =	vadd.s32 v0, v8;
	v6 =	vperm.xlane v6, v3  }
0x28: {  	[tilespmem:$0x2180] =	vst v10;
	v10 =	vadd.s32 v0, v7  }
0x29: {  	v6 =	vadd.s32 v2, v6;
	[tilespmem:$0x2190] =	vst v10  }
0x2a: {  	[tilespmem:s17], [sflag:$0x1] =	stream.indirect_vreg.gather [hbm4b:s1+s3], $0x80, v9, vm0, $0xb8;
	[tilespmem:$0x6480] =	vst v63  }
0x2b: {  	_ = 	snop  }
0x2c: {  	[tilespmem:s18], [sflag:$0x1] =	stream.indirect_vreg.gather [hbm4b:s9+s3], $0x80, v9, vm0, $0xb8;
	[tilespmem:$0x6480] =	vst v63  }
0x2d: {  	_ = 	snop  }
0x2e: {  	[tilespmem:s19], [sflag:$0x1] =	stream.indirect_vreg.gather [hbm4b:s1+s3], $0x80, v6, vm0, $0xb8;
	[tilespmem:$0x6480] =	vst v63  }
0x2f: {  	_ = 	snop  }
0x30: {  	[tilespmem:s20], [sflag:$0x1] =	stream.indirect_vreg.gather [hbm4b:s9+s3], $0x80, v6, vm0, $0xb8;
	[tilespmem:$0x6480] =	vst v63  }
0x31: {  	v6 =	vld [tilespmem:s4+$0x2180];
	_ =	sdelay $0x4  }
0x32: {  	v9 =	vshll.u32 v6, $0x2  }
0x33: {  	v6 =	vand.u32 $0x7, v6;
	v9 =	vand.u32 $0xFFFFFFE0, v9  }
0x34: {  	v6 =	vor.u32 v6, v9  }
0x35: {  	v9 =	vperm.xlane v6, v1;
	_ =	sdelay $0x1  }
0x36: {  	v9 =	vadd.s32 v2, v9;
	_ =	sdelay $0x1  }
0x37: {  	v6 =	vperm.xlane v6, v3;
	_ =	sdelay $0x1  }
0x38: {  	v6 =	vadd.s32 v2, v6  }
0x39: {  	[tilespmem:s21], [sflag:$0x1] =	stream.indirect_vreg.gather [hbm4b:s1+s3], $0x80, v9, vm0, $0xb8;
	[tilespmem:$0x6480] =	vst v63  }
0x3a: {  	_ = 	snop  }
0x3b: {  	[tilespmem:s22], [sflag:$0x1] =	stream.indirect_vreg.gather [hbm4b:s9+s3], $0x80, v9, vm0, $0xb8;
	[tilespmem:$0x6480] =	vst v63  }
0x3c: {  	_ = 	snop  }
0x3d: {  	[tilespmem:s23], [sflag:$0x1] =	stream.indirect_vreg.gather [hbm4b:s1+s3], $0x80, v6, vm0, $0xb8;
	[tilespmem:$0x6480] =	vst v63  }
0x3e: {  	_ = 	snop  }
0x3f: {  	[tilespmem:s24], [sflag:$0x1] =	stream.indirect_vreg.gather [hbm4b:s9+s3], $0x80, v6, vm0, $0xb8;
	[tilespmem:$0x6480] =	vst v63  }
0x40: {  	v5 =	vshll.u32 v5, $0x1  }
0x41: {  	v6 =	vor.u32 $0x1, v5;
	[tilespmem:s3], [sflag:$0x3] =	stream.linear.gather [hbm4b:s5+s3], $0x2000, $0x38;
	[tilespmem:$0x6480] =	vst v63  }
0x42: {  	v8 =	vshll.u32 v8, $0x1;
	_ =	swait.ge [sflag:s15], $0x2000  }
0x43: {  	v7 =	vshll.u32 v7, $0x1;
	[sflag:s15] =	ssyncset.done $0x0  }
0x44: {  	v9 =	vor.u32 $0x1, v8;
	[sflag:s15] =	ssyncadd.s32 $0xFFFFE000  }
0x45: {  	v11 =	vor.u32 $0x1, v7;
	v10 =	vld.idx.msk [tilespmem:v5+s3+$0x0], $0xffff  }
0x46: {  	v12 =	vld.idx.msk [tilespmem:v6+s3+$0x0], $0xffff  }
0x47: {  	v6 =	vld.idx.msk [tilespmem:v8+s3+$0x0], $0xffff  }
0x48: {  	v7 =	vld.idx.msk [tilespmem:v7+s3+$0x0], $0xffff  }
0x49: {  	v5 =	vld.idx.msk [tilespmem:v9+s3+$0x0], $0xffff  }
0x4a: {  	v8 =	vld.idx.msk [tilespmem:v11+s3+$0x0], $0xffff;
	[tilespmem:$0x2200] =	vst v10  }
0x4b: {  	[tilespmem:$0x2210] =	vst v12  }
0x4c: {  	_ =	swait.ge [sflag:s6], $0x2000  }
0x4d: {  	[sflag:s6] =	ssyncset.done $0x0  }
0x4e: {  	[sflag:s6] =	ssyncadd.s32 $0xFFFFE000  }
0x4f: {  	_ =	swait.ge [sflag:s6], $0x2000  }
0x50: {  	v9 =	vmov s3;
	[sflag:s6] =	ssyncset.done $0x0  }
0x51: {  	v10 =	vor.u32 $0x10, v9;
	[sflag:s6] =	ssyncadd.s32 $0xFFFFE000  }
0x52: {  	[hbm4b:s10+s3] =	stream.linear.scatter [tilespmem:s17], [sflag:$0x2], $0x2000, $0x38;
	[tilespmem:$0x6480] =	vst v63  }
0x53: {  	_ = 	snop  }
0x54: {  	[hbm4b:s11+s3] =	stream.linear.scatter [tilespmem:s21], [sflag:$0x2], $0x2000, $0x38;
	[tilespmem:$0x6480] =	vst v63  }
0x55: {  	v9 =	vld.idx.msk [tilespmem:v9+s25+$0x0], $0xffff  }
0x56: {  	v10 =	vld.idx.msk [tilespmem:v10+s25+$0x0], $0xffff;
	_ =	sdelay $0x3  }
0x57: {  	v11 =	vsub.s32 v9, v5  }
0x58: {  	v12 =	vsub.s32 v10, v6;
	v10 =	vsub.s32 v10, v7;
	v9 =	vsub.s32 v9, v8  }
0x59: {  	v13 =	vsub.s32 $0x0, v12;
	v14 =	vsub.s32 $0x0, v10;
	v15 =	vsub.s32 $0x0, v9  }
0x5a: {  	v16 =	vsub.s32 $0x0, v11;
	v10 =	vmin.u32 v10, v14;
	v14 =	vmin.u32 v9, v15  }
0x5b: {  	s30 =	simm.s32 $0x1;
	v12 =	vmin.u32 v12, v13;
	v11 =	vmin.u32 v11, v16;
	vm1 =	vlt.s32 v10, v14  }
0x5c: {  	v9 =	vmov s30;
	vm2 =	vlt.s32 v12, v11;
	v13 =	vsel vm1, v10, v14  }
0x5d: {  	v10 =	vsel vm2, v12, v11;
	vm1 =	vgt.s32 v13, $0x0;
	vm2 =	vgt.s32 v13, $0x1  }
0x5e: {  	v11 =	vsel vm1, $0x1, v4;
	v12 =	vsel vm2, $0x1, v4;
	vm1 =	vgt.s32 v13, $0x2  }
0x5f: {  	v11 =	vadd.s32 v12, v11;
	v12 =	vsel vm1, $0x1, v4;
	vm1 =	vgt.s32 v13, $0x3  }
0x60: {  	v11 =	vadd.s32 v12, v11;
	v12 =	vsel vm1, $0x1, v4;
	vm1 =	vgt.s32 v13, $0x4  }
0x61: {  	v11 =	vadd.s32 v12, v11;
	v12 =	vsel vm1, $0x1, v4;
	vm1 =	vgt.s32 v13, $0x7  }
0x62: {  	v11 =	vadd.s32 v12, v11;
	v12 =	vsel vm1, $0x1, v4;
	vm1 =	vgt.s32 v13, $0xF  }
0x63: {  	v11 =	vadd.s32 v12, v11;
	v12 =	vsel vm1, $0x1, v4;
	vm1 =	vgt.s32 v13, $0x1F  }
0x64: {  	vm2 =	vgt.s32 v10, $0x0;
	v11 =	vadd.s32 v12, v11;
	v12 =	vsel vm1, $0x1, v4  }
0x65: {  	vm1 =	vgt.s32 v13, $0x3F;
	v13 =	vsel vm2, $0x1, v4;
	vm2 =	vgt.s32 v10, $0x3  }
0x66: {  	v11 =	vadd.s32 v12, v11;
	v12 =	vsel vm1, $0x1, v4;
	vm1 =	vgt.s32 v10, $0x1  }
0x67: {  	v11 =	vadd.s32 v12, v11;
	v12 =	vsel vm1, $0x1, v4;
	vm1 =	vgt.s32 v10, $0x2  }
0x68: {  	v14 =	vsel vm2, $0x1, v4;
	v12 =	vadd.s32 v12, v13;
	v13 =	vsel vm1, $0x1, v4  }
0x69: {  	vm2 =	vgt.s32 v10, $0x7;
	vm1 =	vgt.s32 v10, $0x4;
	v12 =	vadd.s32 v13, v12  }
0x6a: {  	v13 =	vsel vm1, $0x1, v4;
	vm1 =	vgt.s32 v10, $0xF;
	v12 =	vadd.s32 v14, v12  }
0x6b: {  	s30 =	simm.s32 $0x6290;
	v14 =	vsel vm2, $0x1, v4;
	vm2 =	vgt.s32 v10, $0x1F;
	v12 =	vadd.s32 v13, v12  }
0x6c: {  	s31 =	simm.s32 $0x2;
	[tilespmem:s30+$0x0] =	vst v11;
	v13 =	vsel vm1, $0x1, v4;
	v11 =	vsel vm2, $0x1, v4;
	v12 =	vadd.s32 v14, v12  }
.LBB2_2:
0x6d: {  	p0 =	sne.s32 s31, $0xF;
	v14 =	vor.u32 $0x10, v9;
	v12 =	vadd.s32 v13, v12;
	vm1 =	vgt.s32 v10, $0x3F  }
0x6e: {  	v10 =	vadd.s32 v11, v12;
	v11 =	vsel vm1, $0x1, v4  }
0x6f: {  	v10 =	vadd.s32 v11, v10  }
0x70: {  	[tilespmem:s30+$0xFFFFFFF0] =	vst v10  }
0x71: {  	v9 =	vld.idx.msk [tilespmem:v9+s25+$0x0], $0xffff  }
0x72: {  	v10 =	vld.idx.msk [tilespmem:v14+s25+$0x0], $0xffff;
	_ =	sdelay $0x4  }
0x73: {  	v11 =	vsub.s32 v9, v5  }
0x74: {  	v9 =	vsub.s32 v9, v8;
	v12 =	vsub.s32 v10, v6;
	v10 =	vsub.s32 v10, v7  }
0x75: {  	v15 =	vsub.s32 $0x0, v9;
	v13 =	vsub.s32 $0x0, v12;
	v14 =	vsub.s32 $0x0, v10  }
0x76: {  	v16 =	vsub.s32 $0x0, v11;
	v10 =	vmin.u32 v10, v14;
	v14 =	vmin.u32 v9, v15  }
0x77: {  	v11 =	vmin.u32 v11, v16;
	v12 =	vmin.u32 v12, v13;
	vm1 =	vlt.s32 v10, v14  }
0x78: {  	v9 =	vmov s31;
	vm2 =	vlt.s32 v12, v11;
	v13 =	vsel vm1, v10, v14  }
0x79: {  	v10 =	vsel vm2, v12, v11;
	vm1 =	vgt.s32 v13, $0x0;
	vm2 =	vgt.s32 v13, $0x1  }
0x7a: {  	v11 =	vsel vm1, $0x1, v4;
	v12 =	vsel vm2, $0x1, v4;
	vm1 =	vgt.s32 v13, $0x2  }
0x7b: {  	v11 =	vadd.s32 v12, v11;
	v12 =	vsel vm1, $0x1, v4;
	vm1 =	vgt.s32 v13, $0x3  }
0x7c: {  	v11 =	vadd.s32 v12, v11;
	v12 =	vsel vm1, $0x1, v4;
	vm1 =	vgt.s32 v13, $0x4  }
0x7d: {  	v11 =	vadd.s32 v12, v11;
	v12 =	vsel vm1, $0x1, v4;
	vm1 =	vgt.s32 v13, $0x7  }
0x7e: {  	v11 =	vadd.s32 v12, v11;
	v12 =	vsel vm1, $0x1, v4;
	vm1 =	vgt.s32 v13, $0xF  }
0x7f: {  	v11 =	vadd.s32 v12, v11;
	v12 =	vsel vm1, $0x1, v4;
	vm1 =	vgt.s32 v13, $0x1F  }
0x80: {  	v11 =	vadd.s32 v12, v11;
	v12 =	vsel vm1, $0x1, v4;
	vm1 =	vgt.s32 v13, $0x3F  }
0x81: {  	vm2 =	vgt.s32 v10, $0x0;
	v11 =	vadd.s32 v12, v11;
	v12 =	vsel vm1, $0x1, v4  }
0x82: {  	s30 =	sadd.s32 $0x20, s30;
	v13 =	vsel vm2, $0x1, v4;
	vm1 =	vgt.s32 v10, $0x1;
	v11 =	vadd.s32 v12, v11  }
0x83: {  	vm2 =	vgt.s32 v10, $0x3;
	v12 =	vsel vm1, $0x1, v4;
	vm1 =	vgt.s32 v10, $0x2;
	[tilespmem:s30+$0x0] =	vst v11  }
.Ltmp0:
0x84: {  	v11 =	vadd.s32 v12, v13;
	v12 =	vsel vm1, $0x1, v4;
	v13 =	vsel vm2, $0x1, v4;
	(pc) =	sbr.rel @p0 .LBB2_2-.Ltmp0, $4  }
0x85: {  	vm1 =	vgt.s32 v10, $0x4;
	vm2 =	vgt.s32 v10, $0x7;
	v11 =	vadd.s32 v12, v11  }
0x86: {  	v12 =	vsel vm1, $0x1, v4;
	v11 =	vadd.s32 v13, v11;
	v13 =	vsel vm2, $0x1, v4  }
0x87: {  	vm1 =	vgt.s32 v10, $0xF;
	vm2 =	vgt.s32 v10, $0x1F;
	v11 =	vadd.s32 v12, v11  }
0x88: {  	s31 =	sadd.s32 $0x1, s31;
	v12 =	vadd.s32 v13, v11;
	v13 =	vsel vm1, $0x1, v4;
	v11 =	vsel vm2, $0x1, v4  }
0x89: {  	v14 =	vor.u32 $0x10, v9;
	v12 =	vadd.s32 v13, v12;
	vm1 =	vgt.s32 v10, $0x3F  }
0x8a: {  	v41 =	vadd.s32 v11, v12;
	v42 =	vsel vm1, $0x1, v4  }
0x8b: {  	v10 =	vadd.s32 v42, v41  }
0x8c: {  	[tilespmem:s30+$0xFFFFFFF0] =	vst v10  }
0x8d: {  	v43 =	vld.idx.msk [tilespmem:v9+s25+$0x0], $0xffff  }
0x8e: {  	v10 =	vld.idx.msk [tilespmem:v14+s25+$0x0], $0xffff;
	_ =	sdelay $0x4  }
0x8f: {  	v8 =	vsub.s32 v43, v8;
	v7 =	vsub.s32 v10, v7  }
0x90: {  	v45 =	vsub.s32 $0x0, v8;
	v44 =	vsub.s32 $0x0, v7  }
0x91: {  	v5 =	vsub.s32 v43, v5;
	v8 =	vmin.u32 v8, v45;
	v7 =	vmin.u32 v7, v44  }
0x92: {  	v6 =	vsub.s32 v10, v6;
	v47 =	vsub.s32 $0x0, v5;
	vm1 =	vlt.s32 v7, v8  }
0x93: {  	v46 =	vsub.s32 $0x0, v6;
	v5 =	vmin.u32 v5, v47;
	v7 =	vsel vm1, v7, v8  }
0x94: {  	v6 =	vmin.u32 v6, v46;
	vm1 =	vgt.s32 v7, $0x0;
	vm2 =	vgt.s32 v7, $0x1  }
0x95: {  	v48 =	vsel vm1, $0x1, v4;
	v49 =	vsel vm2, $0x1, v4;
	vm1 =	vgt.s32 v7, $0x2  }
0x96: {  	vm2 =	vlt.s32 v6, v5;
	v8 =	vadd.s32 v49, v48;
	v50 =	vsel vm1, $0x1, v4  }
0x97: {  	vm1 =	vgt.s32 v7, $0x3;
	v5 =	vsel vm2, v6, v5;
	v8 =	vadd.s32 v50, v8  }
0x98: {  	v51 =	vsel vm1, $0x1, v4;
	vm1 =	vgt.s32 v7, $0x4;
	vm2 =	vgt.s32 v5, $0x0  }
0x99: {  	v8 =	vadd.s32 v51, v8;
	v52 =	vsel vm1, $0x1, v4;
	vm1 =	vgt.s32 v7, $0x7  }
0x9a: {  	v56 =	vsel vm2, $0x1, v4;
	v53 =	vsel vm1, $0x1, v4;
	vm1 =	vgt.s32 v7, $0xF  }
0x9b: {  	vm2 =	vgt.s32 v5, $0x3;
	v54 =	vsel vm1, $0x1, v4;
	vm1 =	vgt.s32 v7, $0x1F  }
0x9c: {  	v8 =	vadd.s32 v52, v8;
	v55 =	vsel vm1, $0x1, v4;
	vm1 =	vgt.s32 v7, $0x3F  }
0x9d: {  	v59 =	vsel vm2, $0x1, v4;
	v7 =	vsel vm1, $0x1, v4;
	vm1 =	vgt.s32 v5, $0x1  }
0x9e: {  	v8 =	vadd.s32 v53, v8;
	v57 =	vsel vm1, $0x1, v4;
	vm1 =	vgt.s32 v5, $0x2  }
0x9f: {  	v6 =	vadd.s32 v54, v8;
	v8 =	vadd.s32 v57, v56;
	v58 =	vsel vm1, $0x1, v4  }
0xa0: {  	vm2 =	vgt.s32 v5, $0x7;
	vm1 =	vgt.s32 v5, $0x4;
	v8 =	vadd.s32 v58, v8  }
0xa1: {  	v61 =	vsel vm2, $0x1, v4;
	v60 =	vsel vm1, $0x1, v4;
	v8 =	vadd.s32 v59, v8  }
0xa2: {  	vm2 =	vgt.s32 v5, $0x1F;
	vm1 =	vgt.s32 v5, $0xF;
	v8 =	vadd.s32 v60, v8  }
0xa3: {  	v63 =	vsel vm2, $0x1, v4;
	v62 =	vsel vm1, $0x1, v4;
	v8 =	vadd.s32 v61, v8  }
0xa4: {  	v6 =	vadd.s32 v55, v6;
	vm1 =	vgt.s32 v5, $0x3F;
	v8 =	vadd.s32 v62, v8  }
0xa5: {  	s31 =	sadd.s32 $0x20, s30;
	v5 =	vadd.s32 v7, v6;
	v7 =	vsel vm1, $0x1, v4;
	v6 =	vadd.s32 v63, v8  }
0xa6: {  	[tilespmem:s31+$0x0] =	vst v5;
	v5 =	vadd.s32 v7, v6  }
0xa7: {  	[tilespmem:s31+$0xFFFFFFF0] =	vst v5  }
0xa8: {  	[hbm4b:s12+s3] =	stream.linear.scatter [tilespmem:s26], [sflag:$0x2], $0x200, $0x38;
	[tilespmem:$0x6480] =	vst v63  }
0xa9: {  	_ =	swait.ge [sflag:s28], $0x2000  }
0xaa: {  	[sflag:s28] =	ssyncset.done $0x0  }
0xab: {  	s29 =	sadd.s32 $0x1, s29;
	[sflag:s28] =	ssyncadd.s32 $0xFFFFE000  }
0xac: {  	p0 =	sne.s32 s29, s13;
	_ =	swait.ge [sflag:s28], $0x2000  }
.Ltmp1:
0xad: {  	[sflag:s28] =	ssyncset.done $0x0;
	(pc) =	sbr.rel @p0 .LBB2_1-.Ltmp1, $4  }
0xae: {  	[sflag:s28] =	ssyncadd.s32 $0xFFFFE000  }
0xaf: {  	_ =	swait.ge [sflag:s28], $0x200  }
0xb0: {  	[sflag:s28] =	ssyncset.done $0x0  }
0xb1: {  	[sflag:s28] =	ssyncadd.s32 $0xFFFFFE00  }
0xb2: {  	_ =	sfence.sel $0x180000  }
0xb3: {  	[bflag:$0x0] =	sbarrier.arrive $0xFFFF  }
0xb4: {  	p0 =	sne.s32 s0, $0x0;
	_ =	strace $0x90000047  }
0xb5: {  	s0 =	sadd.s32 @!p0 $0x100000, s2;
	[bflag:$0x2] =	sbarrier.arrive $0xFFFF  }
0xb6: {  	[sflag:s0] =	ssyncadd.tile.s32 @!p0 $0x1;
	_ =	shalt  }
.Lfunc_end2:
_tile_overlayer_lowered:
.L_overlay_start_2:
0xb7: {  	(tag) =	ssettag $0x2  }
0xb8: {  	s0 =	rddreg [dreg:$0x0];
	s2 =	stileid.u32  }
0xb9: {  	s1 =	rddreg [dreg:$0x1];
	p0 =	sne.s32 s2, $0x0  }
0xba: {  	s3 =	rddreg [dreg:$0x2];
	[bflag:$0x3] =	sbarrier.arrive $0xFFFF;
	s2 =	simm.s32 @!p0 $0x1C03  }
0xbb: {  	[timem:s3], [sflag:s2] =	dma.local @!p0 [hbm:s0], s1  }
0xbc: {  	s0 =	simm.s32 @!p0 $0x3  }
0xbd: {  	_ =	swait.ge @!p0 [sflag:s0], s1  }
0xbe: {  	s1 =	ssub.s32 @!p0 $0x0, s1;
	[sflag:s0] =	ssyncset.done @!p0 $0x0  }
0xbf: {  	[sflag:s0] =	ssyncadd.s32 @!p0 s1  }
0xc0: {  	[bflag:$0x3] =	sbarrier.arrive $0xFFFF  }
0xc1: {  	_ =	shalt  }

</sc_bundles>
